<compile_context>
chip_gen: v7x
topology: tpu7x:2x2x1
jax: 0.10.2.dev20260603
libtpu: 0.0.44.dev20260713+nightly
codegen_flags: <defaults>
</compile_context>

<pallas_src>
import jax
import jax.numpy as jnp
from jax import lax
from jax.experimental import pallas as pl
from jax.experimental.pallas import tpu as pltpu
from jax.experimental.pallas import tpu_sc as plsc

_N_TARGET = 64.0
_NX = 4096
_LANES = 16
_CHUNKS = _NX // _LANES
_K_RTSAFE = 7


def _butterfly(v, op):
    lanes = lax.iota(jnp.int32, _LANES)
    for s in (8, 4, 2, 1):
        v = op(v, v.at[lanes ^ s].get(mode="promise_in_bounds"))
    return v


def _lml_body(x_hbm, y_hbm, nu_hbm, x_v, y_v, nu_v, nu_shared, nu_gather):
    cid = lax.axis_index("c")
    sid = lax.axis_index("s")
    wid = cid * _LANES + sid
    pltpu.sync_copy(x_hbm.at[wid], x_v)

    def prep_step(i, carry):
        mn, mx = carry
        xn = 0.0 - x_v[pl.ds(i * _LANES, _LANES)]
        x_v[pl.ds(i * _LANES, _LANES)] = xn
        return jnp.minimum(mn, xn), jnp.maximum(mx, xn)

    big = jnp.full((_LANES,), 3.0e38, jnp.float32)
    mn, mx = lax.fori_loop(0, _CHUNKS, prep_step, (big, -big), unroll=8)
    xl = _butterfly(mn, jnp.minimum) - 7.0
    xh = _butterfly(mx, jnp.maximum) + 7.0

    rts = 0.5 * (xl + xh)
    dx = xh - xl
    state0 = (xl, xh, rts, dx, dx, rts, jnp.full((_LANES,), jnp.inf, jnp.float32))

    def rtsafe_step(_, carry):
        xl, xh, rts, dx, dxold, best, fbest = carry
        nrts = 0.0 - rts

        def acc_step(i, carry):
            f0, q0, f1, q1 = carry
            s0 = 1.0 / (1.0 + jnp.exp(x_v[pl.ds(i * 2 * _LANES, _LANES)] + nrts))
            s1 = 1.0 / (1.0 + jnp.exp(x_v[pl.ds(i * 2 * _LANES + _LANES, _LANES)] + nrts))
            return f0 + s0, q0 + s0 * s0, f1 + s1, q1 + s1 * s1

        zero = jnp.zeros((_LANES,), jnp.float32)
        f0, q0, f1, q1 = lax.fori_loop(
            0, _CHUNKS // 2, acc_step, (zero, zero, zero, zero), unroll=8
        )
        fraw = _butterfly(f0 + f1, jnp.add)
        f = fraw - _N_TARGET
        df = fraw - _butterfly(q0 + q1, jnp.add) + 1e-30
        absf = jnp.abs(f)
        upd = absf < fbest
        best = jnp.where(upd, rts, best)
        fbest = jnp.where(upd, absf, fbest)
        below = f < 0.0
        xl = jnp.where(below, rts, xl)
        xh = jnp.where(below, xh, rts)
        outside = (((rts - xh) * df - f) * ((rts - xl) * df - f)) > 0.0
        slow = 2.0 * absf > jnp.abs(dxold * df)
        bisect = outside | slow
        step = f / df
        half = 0.5 * (xh - xl)
        dxold = dx
        dx = jnp.where(bisect, half, step)
        rts = jnp.where(bisect, xl + half, rts - step)
        return xl, xh, rts, dx, dxold, best, fbest

    nu = lax.fori_loop(0, _K_RTSAFE, rtsafe_step, state0)[5]
    nnu = 0.0 - nu

    nu_v[...] = nu
    pltpu.sync_copy(nu_v, nu_shared.at[pl.ds(sid * _LANES, _LANES)])

    @plsc.parallel_loop(0, _CHUNKS, 1, unroll=8)
    def y_step(i):
        xn = x_v[pl.ds(i * _LANES, _LANES)]
        y_v[pl.ds(i * _LANES, _LANES)] = 1.0 / (1.0 + jnp.exp(xn + nnu))

    pltpu.sync_copy(y_v, y_hbm.at[wid])

    plsc.subcore_barrier()

    @pl.when(sid == 0)
    def _():
        pltpu.sync_copy(nu_shared, nu_gather)
        lanes = lax.iota(jnp.int32, _LANES)
        diag = jnp.zeros((_LANES,), jnp.float32)
        for r in range(_LANES):
            row = nu_gather[pl.ds(r * _LANES, _LANES)]
            diag = jnp.where(lanes == r, row, diag)
        nu_v[...] = diag
        pltpu.sync_copy(nu_v, nu_hbm.at[pl.ds(cid * _LANES, _LANES)])


@jax.jit
def _lml_sc(x):
    y, nu = pl.kernel(
        _lml_body,
        out_type=[
            jax.ShapeDtypeStruct((32, _NX), jnp.float32),
            jax.ShapeDtypeStruct((32,), jnp.float32),
        ],
        mesh=plsc.VectorSubcoreMesh(core_axis_name="c", subcore_axis_name="s"),
        scratch_types=[
            pltpu.VMEM((_NX,), jnp.float32),
            pltpu.VMEM((_NX,), jnp.float32),
            pltpu.VMEM((_LANES,), jnp.float32),
            pltpu.VMEM_SHARED((_LANES * _LANES,), jnp.float32),
            pltpu.VMEM((_LANES * _LANES,), jnp.float32),
        ],
    )(x)
    return y, nu


def kernel(x):
    return _lml_sc(x)

# --- scband reference (transcript-rebuilt; emitter-appended) ---
"""Pipeline reference for scband-lml-33698313404564 (READ-ONLY COPY).

The authoritative reference and input builder live on the scoring server;
editing this copy changes nothing except your own understanding.
"""

import jax, jax.numpy as jnp
import numpy as np

N = 64
EPS = 0.0001
N_ITER = 5
BRANCH = 100


def setup_inputs(seed: int = 0) -> dict:
    key = jax.random.key(seed)
    x = jax.random.normal(key, (32, 4096), dtype=jnp.float32)
    return {"x": x}


def reference(x):
    # Faithful LML (Limited Multi-Label projection) forward via branch-and-bound
    # root finding on nu such that sum(sigmoid(x + nu)) = N.
    # Note: the per-row active-set indexing (Ix) of the original is replaced by an
    # equivalent full-batch masked update (same math; the original's partial-batch
    # indexing is shape-inconsistent when only some rows are converged).
    single = x.ndim == 1
    if single:
        x = jnp.expand_dims(x, 0)
    n_batch, nx = x.shape
    if nx <= N:
        return (jnp.ones((n_batch, nx), dtype=x.dtype), jnp.zeros((n_batch,), dtype=x.dtype))
    x_sorted = jnp.sort(x, axis=1)[:, ::-1]
    nu_lower = -x_sorted[:, N - 1] - 7.0
    nu_upper = -x_sorted[:, N] + 7.0
    ls = jnp.linspace(0.0, 1.0, BRANCH, dtype=x.dtype)
    r = nu_upper - nu_lower
    for _ in range(N_ITER):
        r = nu_upper - nu_lower
        I = r > EPS
        nus = r[:, None] * ls[None, :] + nu_lower[:, None]
        _xs = x[:, None, :] + nus[:, :, None]
        fs = jnp.sum(jax.nn.sigmoid(_xs), axis=-1) - N
        i_lower = jnp.sum(fs < 0, axis=-1) - 1
        i_lower = jnp.where(i_lower < 0, 0, i_lower)
        i_upper = i_lower + 1
        new_lower = jnp.take_along_axis(nus, i_lower[:, None], axis=1).squeeze(1)
        new_upper = jnp.take_along_axis(nus, i_upper[:, None], axis=1).squeeze(1)
        nu_lower = jnp.where(I, new_lower, nu_lower)
        nu_upper = jnp.where(I, new_upper, nu_upper)
    nu = nu_lower + r / 2.0
    y = jax.nn.sigmoid(x + nu[:, None])
    return (y, nu)

if __name__ == "__main__":
    import jax
    _d = setup_inputs()
    print(jax.jit(kernel)(*tuple(_d.values())))

</pallas_src>

<mosaic_0001>
#map = affine_map<(d0, d1) -> (0, 0)>
#map1 = affine_map<(d0, d1) -> (0)>
module attributes {stable_mosaic.version = 14 : i64} {
  func.func @_lml_body(%arg0: i32, %arg1: i32, %arg2: memref<32x4096xf32, #tpu.memory_space<hbm>>, %arg3: memref<32x4096xf32, #tpu.memory_space<hbm>>, %arg4: memref<32xf32, #tpu.memory_space<hbm>>, %arg5: memref<4096xf32, #tpu.memory_space<vmem>>, %arg6: memref<4096xf32, #tpu.memory_space<vmem>>, %arg7: memref<16xf32, #tpu.memory_space<vmem>>, %arg8: memref<256xf32, #tpu.memory_space<vmem_shared>>, %arg9: memref<256xf32, #tpu.memory_space<vmem>>) attributes {dimension_semantics = [#tpu.dimension_semantics<core_parallel>, #tpu.dimension_semantics<subcore_parallel>], iteration_bounds = array<i64: 2, 16>, scalar_prefetch = 0 : i64, scratch_operands = 5 : i64, tpu.core_type = #tpu.core_type<sc_vector_subcore>, window_params = [{transform_indices = #map}, {transform_indices = #map}, {transform_indices = #map1}]} {
    %mul3A = arith.constant 16 : i32
    %mul3A_0 = arith.muli %arg0, %mul3A : i32
    %add3A = arith.addi %mul3A_0, %arg1 : i32
    "tpu.region"() ({
      %run_scoped3A = tpu.sem_alloc : memref<!tpu.dma_semaphore, #tpu.memory_space<semaphore_mem>>
      %dma_start3A = arith.constant 0 : i32
      %dma_start3A_146 = tpu.memref_slice %arg2[%add3A, %dma_start3A] : memref<32x4096xf32, #tpu.memory_space<hbm>> -> memref<1x4096xf32, #tpu.memory_space<hbm>>
      %dma_start3A_147 = tpu.memref_squeeze %dma_start3A_146 : memref<1x4096xf32, #tpu.memory_space<hbm>> -> memref<4096xf32, #tpu.memory_space<hbm>>
      %dma_start3A_148 = arith.constant 0 : i32
      %dma_start3A_149 = tpu.memref_slice %arg2[%add3A, %dma_start3A_148] : memref<32x4096xf32, #tpu.memory_space<hbm>> -> memref<1x4096xf32, #tpu.memory_space<hbm>>
      %dma_start3A_150 = tpu.memref_squeeze %dma_start3A_149 : memref<1x4096xf32, #tpu.memory_space<hbm>> -> memref<4096xf32, #tpu.memory_space<hbm>>
      tpu.enqueue_dma source(%dma_start3A_150 : memref<4096xf32, #tpu.memory_space<hbm>>) target(%arg5 : memref<4096xf32, #tpu.memory_space<vmem>>) target_semaphore(%run_scoped3A : memref<!tpu.dma_semaphore, #tpu.memory_space<semaphore_mem>>)
      %dma_wait3A = arith.constant 0 : i32
      %dma_wait3A_151 = tpu.memref_slice %arg2[%add3A, %dma_wait3A] : memref<32x4096xf32, #tpu.memory_space<hbm>> -> memref<1x4096xf32, #tpu.memory_space<hbm>>
      %dma_wait3A_152 = tpu.memref_squeeze %dma_wait3A_151 : memref<1x4096xf32, #tpu.memory_space<hbm>> -> memref<4096xf32, #tpu.memory_space<hbm>>
      %dma_wait3A_153 = arith.constant 0 : i32
      %dma_wait3A_154 = tpu.memref_slice %arg2[%add3A, %dma_wait3A_153] : memref<32x4096xf32, #tpu.memory_space<hbm>> -> memref<1x4096xf32, #tpu.memory_space<hbm>>
      %dma_wait3A_155 = tpu.memref_squeeze %dma_wait3A_154 : memref<1x4096xf32, #tpu.memory_space<hbm>> -> memref<4096xf32, #tpu.memory_space<hbm>>
      tpu.wait_dma2 semaphore(%run_scoped3A : memref<!tpu.dma_semaphore, #tpu.memory_space<semaphore_mem>>) src(%dma_wait3A_155 : memref<4096xf32, #tpu.memory_space<hbm>>) dst(%arg5 : memref<4096xf32, #tpu.memory_space<vmem>>)
      tpu.yield
    }) : () -> ()
    %broadcast_in_dim3A = arith.constant 3.000000e+38 : f32
    %broadcast_in_dim3A_1 = vector.broadcast %broadcast_in_dim3A : f32 to vector<16xf32>
    %neg3A = arith.constant 0.000000e+00 : f32
    %neg3A_2 = vector.broadcast %neg3A : f32 to vector<16xf32>
    %neg3A_3 = arith.subf %neg3A_2, %broadcast_in_dim3A_1 : vector<16xf32>
    %scan3A = arith.constant 0 : i32
    %scan3A_4 = arith.constant 256 : i32
    %scan3A_5 = arith.addi %scan3A, %scan3A_4 : i32
    %scan3A_6 = arith.constant 8 : i32
    %scan3A_7:2 = scf.for %scan3A_146 = %scan3A to %scan3A_5 step %scan3A_6 iter_args(%scan3A_147 = %broadcast_in_dim3A_1, %scan3A_148 = %neg3A_3) -> (vector<16xf32>, vector<16xf32>)  : i32 {
      %mul3A_149 = arith.constant 16 : i32
      %mul3A_150 = arith.muli %scan3A_146, %mul3A_149 : i32
      %get3A = arith.index_cast %mul3A_150 : i32 to index
      %get3A_151 = tpu.vector_load %arg5[%get3A] {strides = array<i32>} : memref<4096xf32, #tpu.memory_space<vmem>>, vector<16xf32>,
      %get3A_152 = vector.shape_cast %get3A_151 : vector<16xf32> to vector<16xf32>
      %sub3A_153 = arith.constant 0.000000e+00 : f32
      %sub3A_154 = vector.broadcast %sub3A_153 : f32 to vector<16xf32>
      %sub3A_155 = arith.subf %sub3A_154, %get3A_152 : vector<16xf32>
      %mul3A_156 = arith.constant 16 : i32
      %mul3A_157 = arith.muli %scan3A_146, %mul3A_156 : i32
      %swap3A_158 = arith.index_cast %mul3A_157 : i32 to index
      %swap3A_159 = tpu.vector_load %arg5[%swap3A_158] {strides = array<i32>} : memref<4096xf32, #tpu.memory_space<vmem>>, vector<16xf32>,
      %swap3A_160 = vector.shape_cast %swap3A_159 : vector<16xf32> to vector<16xf32>
      %swap3A_161 = vector.shape_cast %sub3A_155 : vector<16xf32> to vector<16xf32>
      tpu.vector_store %arg5[%swap3A_158], %swap3A_161 {strides = array<i32>} : memref<4096xf32, #tpu.memory_space<vmem>>, vector<16xf32>,
      %min3A_162 = arith.minimumf %scan3A_147, %sub3A_155 : vector<16xf32>
      %max3A_163 = arith.maximumf %scan3A_148, %sub3A_155 : vector<16xf32>
      %scan3A_164 = arith.constant 1 : i32
      %scan3A_165 = arith.addi %scan3A_146, %scan3A_164 : i32
      %mul3A_166 = arith.constant 16 : i32
      %mul3A_167 = arith.muli %scan3A_165, %mul3A_166 : i32
      %get3A_168 = arith.index_cast %mul3A_167 : i32 to index
      %get3A_169 = tpu.vector_load %arg5[%get3A_168] {strides = array<i32>} : memref<4096xf32, #tpu.memory_space<vmem>>, vector<16xf32>,
      %get3A_170 = vector.shape_cast %get3A_169 : vector<16xf32> to vector<16xf32>
      %sub3A_171 = arith.constant 0.000000e+00 : f32
      %sub3A_172 = vector.broadcast %sub3A_171 : f32 to vector<16xf32>
      %sub3A_173 = arith.subf %sub3A_172, %get3A_170 : vector<16xf32>
      %mul3A_174 = arith.constant 16 : i32
      %mul3A_175 = arith.muli %scan3A_165, %mul3A_174 : i32
      %swap3A_176 = arith.index_cast %mul3A_175 : i32 to index
      %swap3A_177 = tpu.vector_load %arg5[%swap3A_176] {strides = array<i32>} : memref<4096xf32, #tpu.memory_space<vmem>>, vector<16xf32>,
      %swap3A_178 = vector.shape_cast %swap3A_177 : vector<16xf32> to vector<16xf32>
      %swap3A_179 = vector.shape_cast %sub3A_173 : vector<16xf32> to vector<16xf32>
      tpu.vector_store %arg5[%swap3A_176], %swap3A_179 {strides = array<i32>} : memref<4096xf32, #tpu.memory_space<vmem>>, vector<16xf32>,
      %min3A_180 = arith.minimumf %min3A_162, %sub3A_173 : vector<16xf32>
      %max3A_181 = arith.maximumf %max3A_163, %sub3A_173 : vector<16xf32>
      %scan3A_182 = arith.constant 2 : i32
      %scan3A_183 = arith.addi %scan3A_146, %scan3A_182 : i32
      %mul3A_184 = arith.constant 16 : i32
      %mul3A_185 = arith.muli %scan3A_183, %mul3A_184 : i32
      %get3A_186 = arith.index_cast %mul3A_185 : i32 to index
      %get3A_187 = tpu.vector_load %arg5[%get3A_186] {strides = array<i32>} : memref<4096xf32, #tpu.memory_space<vmem>>, vector<16xf32>,
      %get3A_188 = vector.shape_cast %get3A_187 : vector<16xf32> to vector<16xf32>
      %sub3A_189 = arith.constant 0.000000e+00 : f32
      %sub3A_190 = vector.broadcast %sub3A_189 : f32 to vector<16xf32>
      %sub3A_191 = arith.subf %sub3A_190, %get3A_188 : vector<16xf32>
      %mul3A_192 = arith.constant 16 : i32
      %mul3A_193 = arith.muli %scan3A_183, %mul3A_192 : i32
      %swap3A_194 = arith.index_cast %mul3A_193 : i32 to index
      %swap3A_195 = tpu.vector_load %arg5[%swap3A_194] {strides = array<i32>} : memref<4096xf32, #tpu.memory_space<vmem>>, vector<16xf32>,
      %swap3A_196 = vector.shape_cast %swap3A_195 : vector<16xf32> to vector<16xf32>
      %swap3A_197 = vector.shape_cast %sub3A_191 : vector<16xf32> to vector<16xf32>
      tpu.vector_store %arg5[%swap3A_194], %swap3A_197 {strides = array<i32>} : memref<4096xf32, #tpu.memory_space<vmem>>, vector<16xf32>,
      %min3A_198 = arith.minimumf %min3A_180, %sub3A_191 : vector<16xf32>
      %max3A_199 = arith.maximumf %max3A_181, %sub3A_191 : vector<16xf32>
      %scan3A_200 = arith.constant 3 : i32
      %scan3A_201 = arith.addi %scan3A_146, %scan3A_200 : i32
      %mul3A_202 = arith.constant 16 : i32
      %mul3A_203 = arith.muli %scan3A_201, %mul3A_202 : i32
      %get3A_204 = arith.index_cast %mul3A_203 : i32 to index
      %get3A_205 = tpu.vector_load %arg5[%get3A_204] {strides = array<i32>} : memref<4096xf32, #tpu.memory_space<vmem>>, vector<16xf32>,
      %get3A_206 = vector.shape_cast %get3A_205 : vector<16xf32> to vector<16xf32>
      %sub3A_207 = arith.constant 0.000000e+00 : f32
      %sub3A_208 = vector.broadcast %sub3A_207 : f32 to vector<16xf32>
      %sub3A_209 = arith.subf %sub3A_208, %get3A_206 : vector<16xf32>
      %mul3A_210 = arith.constant 16 : i32
      %mul3A_211 = arith.muli %scan3A_201, %mul3A_210 : i32
      %swap3A_212 = arith.index_cast %mul3A_211 : i32 to index
      %swap3A_213 = tpu.vector_load %arg5[%swap3A_212] {strides = array<i32>} : memref<4096xf32, #tpu.memory_space<vmem>>, vector<16xf32>,
      %swap3A_214 = vector.shape_cast %swap3A_213 : vector<16xf32> to vector<16xf32>
      %swap3A_215 = vector.shape_cast %sub3A_209 : vector<16xf32> to vector<16xf32>
      tpu.vector_store %arg5[%swap3A_212], %swap3A_215 {strides = array<i32>} : memref<4096xf32, #tpu.memory_space<vmem>>, vector<16xf32>,
      %min3A_216 = arith.minimumf %min3A_198, %sub3A_209 : vector<16xf32>
      %max3A_217 = arith.maximumf %max3A_199, %sub3A_209 : vector<16xf32>
      %scan3A_218 = arith.constant 4 : i32
      %scan3A_219 = arith.addi %scan3A_146, %scan3A_218 : i32
      %mul3A_220 = arith.constant 16 : i32
      %mul3A_221 = arith.muli %scan3A_219, %mul3A_220 : i32
      %get3A_222 = arith.index_cast %mul3A_221 : i32 to index
      %get3A_223 = tpu.vector_load %arg5[%get3A_222] {strides = array<i32>} : memref<4096xf32, #tpu.memory_space<vmem>>, vector<16xf32>,
      %get3A_224 = vector.shape_cast %get3A_223 : vector<16xf32> to vector<16xf32>
      %sub3A_225 = arith.constant 0.000000e+00 : f32
      %sub3A_226 = vector.broadcast %sub3A_225 : f32 to vector<16xf32>
      %sub3A_227 = arith.subf %sub3A_226, %get3A_224 : vector<16xf32>
      %mul3A_228 = arith.constant 16 : i32
      %mul3A_229 = arith.muli %scan3A_219, %mul3A_228 : i32
      %swap3A_230 = arith.index_cast %mul3A_229 : i32 to index
      %swap3A_231 = tpu.vector_load %arg5[%swap3A_230] {strides = array<i32>} : memref<4096xf32, #tpu.memory_space<vmem>>, vector<16xf32>,
      %swap3A_232 = vector.shape_cast %swap3A_231 : vector<16xf32> to vector<16xf32>
      %swap3A_233 = vector.shape_cast %sub3A_227 : vector<16xf32> to vector<16xf32>
      tpu.vector_store %arg5[%swap3A_230], %swap3A_233 {strides = array<i32>} : memref<4096xf32, #tpu.memory_space<vmem>>, vector<16xf32>,
      %min3A_234 = arith.minimumf %min3A_216, %sub3A_227 : vector<16xf32>
      %max3A_235 = arith.maximumf %max3A_217, %sub3A_227 : vector<16xf32>
      %scan3A_236 = arith.constant 5 : i32
      %scan3A_237 = arith.addi %scan3A_146, %scan3A_236 : i32
      %mul3A_238 = arith.constant 16 : i32
      %mul3A_239 = arith.muli %scan3A_237, %mul3A_238 : i32
      %get3A_240 = arith.index_cast %mul3A_239 : i32 to index
      %get3A_241 = tpu.vector_load %arg5[%get3A_240] {strides = array<i32>} : memref<4096xf32, #tpu.memory_space<vmem>>, vector<16xf32>,
      %get3A_242 = vector.shape_cast %get3A_241 : vector<16xf32> to vector<16xf32>
      %sub3A_243 = arith.constant 0.000000e+00 : f32
      %sub3A_244 = vector.broadcast %sub3A_243 : f32 to vector<16xf32>
      %sub3A_245 = arith.subf %sub3A_244, %get3A_242 : vector<16xf32>
      %mul3A_246 = arith.constant 16 : i32
      %mul3A_247 = arith.muli %scan3A_237, %mul3A_246 : i32
      %swap3A_248 = arith.index_cast %mul3A_247 : i32 to index
      %swap3A_249 = tpu.vector_load %arg5[%swap3A_248] {strides = array<i32>} : memref<4096xf32, #tpu.memory_space<vmem>>, vector<16xf32>,
      %swap3A_250 = vector.shape_cast %swap3A_249 : vector<16xf32> to vector<16xf32>
      %swap3A_251 = vector.shape_cast %sub3A_245 : vector<16xf32> to vector<16xf32>
      tpu.vector_store %arg5[%swap3A_248], %swap3A_251 {strides = array<i32>} : memref<4096xf32, #tpu.memory_space<vmem>>, vector<16xf32>,
      %min3A_252 = arith.minimumf %min3A_234, %sub3A_245 : vector<16xf32>
      %max3A_253 = arith.maximumf %max3A_235, %sub3A_245 : vector<16xf32>
      %scan3A_254 = arith.constant 6 : i32
      %scan3A_255 = arith.addi %scan3A_146, %scan3A_254 : i32
      %mul3A_256 = arith.constant 16 : i32
      %mul3A_257 = arith.muli %scan3A_255, %mul3A_256 : i32
      %get3A_258 = arith.index_cast %mul3A_257 : i32 to index
      %get3A_259 = tpu.vector_load %arg5[%get3A_258] {strides = array<i32>} : memref<4096xf32, #tpu.memory_space<vmem>>, vector<16xf32>,
      %get3A_260 = vector.shape_cast %get3A_259 : vector<16xf32> to vector<16xf32>
      %sub3A_261 = arith.constant 0.000000e+00 : f32
      %sub3A_262 = vector.broadcast %sub3A_261 : f32 to vector<16xf32>
      %sub3A_263 = arith.subf %sub3A_262, %get3A_260 : vector<16xf32>
      %mul3A_264 = arith.constant 16 : i32
      %mul3A_265 = arith.muli %scan3A_255, %mul3A_264 : i32
      %swap3A_266 = arith.index_cast %mul3A_265 : i32 to index
      %swap3A_267 = tpu.vector_load %arg5[%swap3A_266] {strides = array<i32>} : memref<4096xf32, #tpu.memory_space<vmem>>, vector<16xf32>,
      %swap3A_268 = vector.shape_cast %swap3A_267 : vector<16xf32> to vector<16xf32>
      %swap3A_269 = vector.shape_cast %sub3A_263 : vector<16xf32> to vector<16xf32>
      tpu.vector_store %arg5[%swap3A_266], %swap3A_269 {strides = array<i32>} : memref<4096xf32, #tpu.memory_space<vmem>>, vector<16xf32>,
      %min3A_270 = arith.minimumf %min3A_252, %sub3A_263 : vector<16xf32>
      %max3A_271 = arith.maximumf %max3A_253, %sub3A_263 : vector<16xf32>
      %scan3A_272 = arith.constant 7 : i32
      %scan3A_273 = arith.addi %scan3A_146, %scan3A_272 : i32
      %mul3A_274 = arith.constant 16 : i32
      %mul3A_275 = arith.muli %scan3A_273, %mul3A_274 : i32
      %get3A_276 = arith.index_cast %mul3A_275 : i32 to index
      %get3A_277 = tpu.vector_load %arg5[%get3A_276] {strides = array<i32>} : memref<4096xf32, #tpu.memory_space<vmem>>, vector<16xf32>,
      %get3A_278 = vector.shape_cast %get3A_277 : vector<16xf32> to vector<16xf32>
      %sub3A_279 = arith.constant 0.000000e+00 : f32
      %sub3A_280 = vector.broadcast %sub3A_279 : f32 to vector<16xf32>
      %sub3A_281 = arith.subf %sub3A_280, %get3A_278 : vector<16xf32>
      %mul3A_282 = arith.constant 16 : i32
      %mul3A_283 = arith.muli %scan3A_273, %mul3A_282 : i32
      %swap3A_284 = arith.index_cast %mul3A_283 : i32 to index
      %swap3A_285 = tpu.vector_load %arg5[%swap3A_284] {strides = array<i32>} : memref<4096xf32, #tpu.memory_space<vmem>>, vector<16xf32>,
      %swap3A_286 = vector.shape_cast %swap3A_285 : vector<16xf32> to vector<16xf32>
      %swap3A_287 = vector.shape_cast %sub3A_281 : vector<16xf32> to vector<16xf32>
      tpu.vector_store %arg5[%swap3A_284], %swap3A_287 {strides = array<i32>} : memref<4096xf32, #tpu.memory_space<vmem>>, vector<16xf32>,
      %min3A_288 = arith.minimumf %min3A_270, %sub3A_281 : vector<16xf32>
      %max3A_289 = arith.maximumf %max3A_271, %sub3A_281 : vector<16xf32>
      scf.yield %min3A_288, %max3A_289 : vector<16xf32>, vector<16xf32>
    }
    %scan3A_8 = arith.constant 256 : i32
    %iota3A = tpu.iota {dimensions = array<i32: 0>} : vector<16xi32>
    %xor3A = arith.constant 8 : i32
    %xor3A_9 = vector.broadcast %xor3A : i32 to vector<16xi32>
    %xor3A_10 = arith.xori %iota3A, %xor3A_9 : vector<16xi32>
    %lt3A = arith.constant 0 : i32
    %lt3A_11 = vector.broadcast %lt3A : i32 to vector<16xi32>
    %lt3A_12 = arith.cmpi slt, %xor3A_10, %lt3A_11 : vector<16xi32>
    %add3A_13 = arith.constant 16 : i32
    %add3A_14 = vector.broadcast %add3A_13 : i32 to vector<16xi32>
    %add3A_15 = arith.addi %xor3A_10, %add3A_14 : vector<16xi32>
    %select_n3A = arith.select %lt3A_12, %add3A_15, %xor3A_10 : vector<16xi1>, vector<16xi32>
    %broadcast_in_dim3A_16 = vector.shape_cast %select_n3A : vector<16xi32> to vector<16x1xi32>
    %gather3A = vector.shape_cast %broadcast_in_dim3A_16 : vector<16x1xi32> to vector<16xi32>
    %gather3A_17 = tpu.dynamic_gather %scan3A_7#0[%gather3A] in [0] : vector<16xf32>, vector<16xi32> -> vector<16xf32>
    %min3A = arith.minimumf %scan3A_7#0, %gather3A_17 : vector<16xf32>
    %xor3A_18 = arith.constant 4 : i32
    %xor3A_19 = vector.broadcast %xor3A_18 : i32 to vector<16xi32>
    %xor3A_20 = arith.xori %iota3A, %xor3A_19 : vector<16xi32>
    %lt3A_21 = arith.constant 0 : i32
    %lt3A_22 = vector.broadcast %lt3A_21 : i32 to vector<16xi32>
    %lt3A_23 = arith.cmpi slt, %xor3A_20, %lt3A_22 : vector<16xi32>
    %add3A_24 = arith.constant 16 : i32
    %add3A_25 = vector.broadcast %add3A_24 : i32 to vector<16xi32>
    %add3A_26 = arith.addi %xor3A_20, %add3A_25 : vector<16xi32>
    %select_n3A_27 = arith.select %lt3A_23, %add3A_26, %xor3A_20 : vector<16xi1>, vector<16xi32>
    %broadcast_in_dim3A_28 = vector.shape_cast %select_n3A_27 : vector<16xi32> to vector<16x1xi32>
    %gather3A_29 = vector.shape_cast %broadcast_in_dim3A_28 : vector<16x1xi32> to vector<16xi32>
    %gather3A_30 = tpu.dynamic_gather %min3A[%gather3A_29] in [0] : vector<16xf32>, vector<16xi32> -> vector<16xf32>
    %min3A_31 = arith.minimumf %min3A, %gather3A_30 : vector<16xf32>
    %xor3A_32 = arith.constant 2 : i32
    %xor3A_33 = vector.broadcast %xor3A_32 : i32 to vector<16xi32>
    %xor3A_34 = arith.xori %iota3A, %xor3A_33 : vector<16xi32>
    %lt3A_35 = arith.constant 0 : i32
    %lt3A_36 = vector.broadcast %lt3A_35 : i32 to vector<16xi32>
    %lt3A_37 = arith.cmpi slt, %xor3A_34, %lt3A_36 : vector<16xi32>
    %add3A_38 = arith.constant 16 : i32
    %add3A_39 = vector.broadcast %add3A_38 : i32 to vector<16xi32>
    %add3A_40 = arith.addi %xor3A_34, %add3A_39 : vector<16xi32>
    %select_n3A_41 = arith.select %lt3A_37, %add3A_40, %xor3A_34 : vector<16xi1>, vector<16xi32>
    %broadcast_in_dim3A_42 = vector.shape_cast %select_n3A_41 : vector<16xi32> to vector<16x1xi32>
    %gather3A_43 = vector.shape_cast %broadcast_in_dim3A_42 : vector<16x1xi32> to vector<16xi32>
    %gather3A_44 = tpu.dynamic_gather %min3A_31[%gather3A_43] in [0] : vector<16xf32>, vector<16xi32> -> vector<16xf32>
    %min3A_45 = arith.minimumf %min3A_31, %gather3A_44 : vector<16xf32>
    %xor3A_46 = arith.constant 1 : i32
    %xor3A_47 = vector.broadcast %xor3A_46 : i32 to vector<16xi32>
    %xor3A_48 = arith.xori %iota3A, %xor3A_47 : vector<16xi32>
    %lt3A_49 = arith.constant 0 : i32
    %lt3A_50 = vector.broadcast %lt3A_49 : i32 to vector<16xi32>
    %lt3A_51 = arith.cmpi slt, %xor3A_48, %lt3A_50 : vector<16xi32>
    %add3A_52 = arith.constant 16 : i32
    %add3A_53 = vector.broadcast %add3A_52 : i32 to vector<16xi32>
    %add3A_54 = arith.addi %xor3A_48, %add3A_53 : vector<16xi32>
    %select_n3A_55 = arith.select %lt3A_51, %add3A_54, %xor3A_48 : vector<16xi1>, vector<16xi32>
    %broadcast_in_dim3A_56 = vector.shape_cast %select_n3A_55 : vector<16xi32> to vector<16x1xi32>
    %gather3A_57 = vector.shape_cast %broadcast_in_dim3A_56 : vector<16x1xi32> to vector<16xi32>
    %gather3A_58 = tpu.dynamic_gather %min3A_45[%gather3A_57] in [0] : vector<16xf32>, vector<16xi32> -> vector<16xf32>
    %min3A_59 = arith.minimumf %min3A_45, %gather3A_58 : vector<16xf32>
    %sub3A = arith.constant 7.000000e+00 : f32
    %sub3A_60 = vector.broadcast %sub3A : f32 to vector<16xf32>
    %sub3A_61 = arith.subf %min3A_59, %sub3A_60 : vector<16xf32>
    %iota3A_62 = tpu.iota {dimensions = array<i32: 0>} : vector<16xi32>
    %xor3A_63 = arith.constant 8 : i32
    %xor3A_64 = vector.broadcast %xor3A_63 : i32 to vector<16xi32>
    %xor3A_65 = arith.xori %iota3A_62, %xor3A_64 : vector<16xi32>
    %lt3A_66 = arith.constant 0 : i32
    %lt3A_67 = vector.broadcast %lt3A_66 : i32 to vector<16xi32>
    %lt3A_68 = arith.cmpi slt, %xor3A_65, %lt3A_67 : vector<16xi32>
    %add3A_69 = arith.constant 16 : i32
    %add3A_70 = vector.broadcast %add3A_69 : i32 to vector<16xi32>
    %add3A_71 = arith.addi %xor3A_65, %add3A_70 : vector<16xi32>
    %select_n3A_72 = arith.select %lt3A_68, %add3A_71, %xor3A_65 : vector<16xi1>, vector<16xi32>
    %broadcast_in_dim3A_73 = vector.shape_cast %select_n3A_72 : vector<16xi32> to vector<16x1xi32>
    %gather3A_74 = vector.shape_cast %broadcast_in_dim3A_73 : vector<16x1xi32> to vector<16xi32>
    %gather3A_75 = tpu.dynamic_gather %scan3A_7#1[%gather3A_74] in [0] : vector<16xf32>, vector<16xi32> -> vector<16xf32>
    %max3A = arith.maximumf %scan3A_7#1, %gather3A_75 : vector<16xf32>
    %xor3A_76 = arith.constant 4 : i32
    %xor3A_77 = vector.broadcast %xor3A_76 : i32 to vector<16xi32>
    %xor3A_78 = arith.xori %iota3A_62, %xor3A_77 : vector<16xi32>
    %lt3A_79 = arith.constant 0 : i32
    %lt3A_80 = vector.broadcast %lt3A_79 : i32 to vector<16xi32>
    %lt3A_81 = arith.cmpi slt, %xor3A_78, %lt3A_80 : vector<16xi32>
    %add3A_82 = arith.constant 16 : i32
    %add3A_83 = vector.broadcast %add3A_82 : i32 to vector<16xi32>
    %add3A_84 = arith.addi %xor3A_78, %add3A_83 : vector<16xi32>
    %select_n3A_85 = arith.select %lt3A_81, %add3A_84, %xor3A_78 : vector<16xi1>, vector<16xi32>
    %broadcast_in_dim3A_86 = vector.shape_cast %select_n3A_85 : vector<16xi32> to vector<16x1xi32>
    %gather3A_87 = vector.shape_cast %broadcast_in_dim3A_86 : vector<16x1xi32> to vector<16xi32>
    %gather3A_88 = tpu.dynamic_gather %max3A[%gather3A_87] in [0] : vector<16xf32>, vector<16xi32> -> vector<16xf32>
    %max3A_89 = arith.maximumf %max3A, %gather3A_88 : vector<16xf32>
    %xor3A_90 = arith.constant 2 : i32
    %xor3A_91 = vector.broadcast %xor3A_90 : i32 to vector<16xi32>
    %xor3A_92 = arith.xori %iota3A_62, %xor3A_91 : vector<16xi32>
    %lt3A_93 = arith.constant 0 : i32
    %lt3A_94 = vector.broadcast %lt3A_93 : i32 to vector<16xi32>
    %lt3A_95 = arith.cmpi slt, %xor3A_92, %lt3A_94 : vector<16xi32>
    %add3A_96 = arith.constant 16 : i32
    %add3A_97 = vector.broadcast %add3A_96 : i32 to vector<16xi32>
    %add3A_98 = arith.addi %xor3A_92, %add3A_97 : vector<16xi32>
    %select_n3A_99 = arith.select %lt3A_95, %add3A_98, %xor3A_92 : vector<16xi1>, vector<16xi32>
    %broadcast_in_dim3A_100 = vector.shape_cast %select_n3A_99 : vector<16xi32> to vector<16x1xi32>
    %gather3A_101 = vector.shape_cast %broadcast_in_dim3A_100 : vector<16x1xi32> to vector<16xi32>
    %gather3A_102 = tpu.dynamic_gather %max3A_89[%gather3A_101] in [0] : vector<16xf32>, vector<16xi32> -> vector<16xf32>
    %max3A_103 = arith.maximumf %max3A_89, %gather3A_102 : vector<16xf32>
    %xor3A_104 = arith.constant 1 : i32
    %xor3A_105 = vector.broadcast %xor3A_104 : i32 to vector<16xi32>
    %xor3A_106 = arith.xori %iota3A_62, %xor3A_105 : vector<16xi32>
    %lt3A_107 = arith.constant 0 : i32
    %lt3A_108 = vector.broadcast %lt3A_107 : i32 to vector<16xi32>
    %lt3A_109 = arith.cmpi slt, %xor3A_106, %lt3A_108 : vector<16xi32>
    %add3A_110 = arith.constant 16 : i32
    %add3A_111 = vector.broadcast %add3A_110 : i32 to vector<16xi32>
    %add3A_112 = arith.addi %xor3A_106, %add3A_111 : vector<16xi32>
    %select_n3A_113 = arith.select %lt3A_109, %add3A_112, %xor3A_106 : vector<16xi1>, vector<16xi32>
    %broadcast_in_dim3A_114 = vector.shape_cast %select_n3A_113 : vector<16xi32> to vector<16x1xi32>
    %gather3A_115 = vector.shape_cast %broadcast_in_dim3A_114 : vector<16x1xi32> to vector<16xi32>
    %gather3A_116 = tpu.dynamic_gather %max3A_103[%gather3A_115] in [0] : vector<16xf32>, vector<16xi32> -> vector<16xf32>
    %max3A_117 = arith.maximumf %max3A_103, %gather3A_116 : vector<16xf32>
    %add3A_118 = arith.constant 7.000000e+00 : f32
    %add3A_119 = vector.broadcast %add3A_118 : f32 to vector<16xf32>
    %add3A_120 = arith.addf %max3A_117, %add3A_119 : vector<16xf32>
    %add3A_121 = arith.addf %sub3A_61, %add3A_120 : vector<16xf32>
    %mul3A_122 = arith.constant 5.000000e-01 : f32
    %mul3A_123 = vector.broadcast %mul3A_122 : f32 to vector<16xf32>
    %mul3A_124 = arith.mulf %mul3A_123, %add3A_121 : vector<16xf32>
    %sub3A_125 = arith.subf %add3A_120, %sub3A_61 : vector<16xf32>
    %broadcast_in_dim3A_126 = arith.constant 0x7F800000 : f32
    %broadcast_in_dim3A_127 = vector.broadcast %broadcast_in_dim3A_126 : f32 to vector<16xf32>
    %scan3A_128 = arith.constant 0 : i32
    %scan3A_129 = arith.constant 7 : i32
    %scan3A_130 = arith.addi %scan3A_128, %scan3A_129 : i32
    %scan3A_131 = arith.constant 1 : i32
    %scan3A_132:7 = scf.for %scan3A_146 = %scan3A_128 to %scan3A_130 step %scan3A_131 iter_args(%scan3A_147 = %sub3A_61, %scan3A_148 = %add3A_120, %scan3A_149 = %mul3A_124, %scan3A_150 = %sub3A_125, %scan3A_151 = %sub3A_125, %scan3A_152 = %mul3A_124, %scan3A_153 = %broadcast_in_dim3A_127) -> (vector<16xf32>, vector<16xf32>, vector<16xf32>, vector<16xf32>, vector<16xf32>, vector<16xf32>, vector<16xf32>)  : i32 {
      %sub3A_154 = arith.constant 0.000000e+00 : f32
      %sub3A_155 = vector.broadcast %sub3A_154 : f32 to vector<16xf32>
      %sub3A_156 = arith.subf %sub3A_155, %scan3A_149 : vector<16xf32>
      %broadcast_in_dim3A_157 = arith.constant 0.000000e+00 : f32
      %broadcast_in_dim3A_158 = vector.broadcast %broadcast_in_dim3A_157 : f32 to vector<16xf32>
      %scan3A_159 = arith.constant 0 : i32
      %scan3A_160 = arith.constant 128 : i32
      %scan3A_161 = arith.addi %scan3A_159, %scan3A_160 : i32
      %scan3A_162 = arith.constant 8 : i32
      %scan3A_163:4 = scf.for %scan3A_319 = %scan3A_159 to %scan3A_161 step %scan3A_162 iter_args(%scan3A_320 = %broadcast_in_dim3A_158, %scan3A_321 = %broadcast_in_dim3A_158, %scan3A_322 = %broadcast_in_dim3A_158, %scan3A_323 = %broadcast_in_dim3A_158) -> (vector<16xf32>, vector<16xf32>, vector<16xf32>, vector<16xf32>)  : i32 {
        %mul3A_324 = arith.constant 2 : i32
        %mul3A_325 = arith.muli %scan3A_319, %mul3A_324 : i32
        %mul3A_326 = arith.constant 16 : i32
        %mul3A_327 = arith.muli %mul3A_325, %mul3A_326 : i32
        %get3A = arith.index_cast %mul3A_327 : i32 to index
        %get3A_328 = tpu.vector_load %arg5[%get3A] {strides = array<i32>} : memref<4096xf32, #tpu.memory_space<vmem>>, vector<16xf32>,
        %get3A_329 = vector.shape_cast %get3A_328 : vector<16xf32> to vector<16xf32>
        %add3A_330 = arith.addf %get3A_329, %sub3A_156 : vector<16xf32>
        %exp3A = math.exp %add3A_330 : vector<16xf32>
        %add3A_331 = arith.constant 1.000000e+00 : f32
        %add3A_332 = vector.broadcast %add3A_331 : f32 to vector<16xf32>
        %add3A_333 = arith.addf %add3A_332, %exp3A : vector<16xf32>
        %div3A_334 = arith.constant 1.000000e+00 : f32
        %div3A_335 = vector.broadcast %div3A_334 : f32 to vector<16xf32>
        %div3A_336 = arith.divf %div3A_335, %add3A_333 : vector<16xf32>
        %mul3A_337 = arith.constant 2 : i32
        %mul3A_338 = arith.muli %scan3A_319, %mul3A_337 : i32
        %mul3A_339 = arith.constant 16 : i32
        %mul3A_340 = arith.muli %mul3A_338, %mul3A_339 : i32
        %add3A_341 = arith.constant 16 : i32
        %add3A_342 = arith.addi %mul3A_340, %add3A_341 : i32
        %get3A_343 = arith.index_cast %add3A_342 : i32 to index
        %get3A_344 = tpu.vector_load %arg5[%get3A_343] {strides = array<i32>} : memref<4096xf32, #tpu.memory_space<vmem>>, vector<16xf32>,
        %get3A_345 = vector.shape_cast %get3A_344 : vector<16xf32> to vector<16xf32>
        %add3A_346 = arith.addf %get3A_345, %sub3A_156 : vector<16xf32>
        %exp3A_347 = math.exp %add3A_346 : vector<16xf32>
        %add3A_348 = arith.constant 1.000000e+00 : f32
        %add3A_349 = vector.broadcast %add3A_348 : f32 to vector<16xf32>
        %add3A_350 = arith.addf %add3A_349, %exp3A_347 : vector<16xf32>
        %div3A_351 = arith.constant 1.000000e+00 : f32
        %div3A_352 = vector.broadcast %div3A_351 : f32 to vector<16xf32>
        %div3A_353 = arith.divf %div3A_352, %add3A_350 : vector<16xf32>
        %add3A_354 = arith.addf %scan3A_320, %div3A_336 : vector<16xf32>
        %mul3A_355 = arith.mulf %div3A_336, %div3A_336 : vector<16xf32>
        %add3A_356 = arith.addf %scan3A_321, %mul3A_355 : vector<16xf32>
        %add3A_357 = arith.addf %scan3A_322, %div3A_353 : vector<16xf32>
        %mul3A_358 = arith.mulf %div3A_353, %div3A_353 : vector<16xf32>
        %add3A_359 = arith.addf %scan3A_323, %mul3A_358 : vector<16xf32>
        %scan3A_360 = arith.constant 1 : i32
        %scan3A_361 = arith.addi %scan3A_319, %scan3A_360 : i32
        %mul3A_362 = arith.constant 2 : i32
        %mul3A_363 = arith.muli %scan3A_361, %mul3A_362 : i32
        %mul3A_364 = arith.constant 16 : i32
        %mul3A_365 = arith.muli %mul3A_363, %mul3A_364 : i32
        %get3A_366 = arith.index_cast %mul3A_365 : i32 to index
        %get3A_367 = tpu.vector_load %arg5[%get3A_366] {strides = array<i32>} : memref<4096xf32, #tpu.memory_space<vmem>>, vector<16xf32>,
        %get3A_368 = vector.shape_cast %get3A_367 : vector<16xf32> to vector<16xf32>
        %add3A_369 = arith.addf %get3A_368, %sub3A_156 : vector<16xf32>
        %exp3A_370 = math.exp %add3A_369 : vector<16xf32>
        %add3A_371 = arith.constant 1.000000e+00 : f32
        %add3A_372 = vector.broadcast %add3A_371 : f32 to vector<16xf32>
        %add3A_373 = arith.addf %add3A_372, %exp3A_370 : vector<16xf32>
        %div3A_374 = arith.constant 1.000000e+00 : f32
        %div3A_375 = vector.broadcast %div3A_374 : f32 to vector<16xf32>
        %div3A_376 = arith.divf %div3A_375, %add3A_373 : vector<16xf32>
        %mul3A_377 = arith.constant 2 : i32
        %mul3A_378 = arith.muli %scan3A_361, %mul3A_377 : i32
        %mul3A_379 = arith.constant 16 : i32
        %mul3A_380 = arith.muli %mul3A_378, %mul3A_379 : i32
        %add3A_381 = arith.constant 16 : i32
        %add3A_382 = arith.addi %mul3A_380, %add3A_381 : i32
        %get3A_383 = arith.index_cast %add3A_382 : i32 to index
        %get3A_384 = tpu.vector_load %arg5[%get3A_383] {strides = array<i32>} : memref<4096xf32, #tpu.memory_space<vmem>>, vector<16xf32>,
        %get3A_385 = vector.shape_cast %get3A_384 : vector<16xf32> to vector<16xf32>
        %add3A_386 = arith.addf %get3A_385, %sub3A_156 : vector<16xf32>
        %exp3A_387 = math.exp %add3A_386 : vector<16xf32>
        %add3A_388 = arith.constant 1.000000e+00 : f32
        %add3A_389 = vector.broadcast %add3A_388 : f32 to vector<16xf32>
        %add3A_390 = arith.addf %add3A_389, %exp3A_387 : vector<16xf32>
        %div3A_391 = arith.constant 1.000000e+00 : f32
        %div3A_392 = vector.broadcast %div3A_391 : f32 to vector<16xf32>
        %div3A_393 = arith.divf %div3A_392, %add3A_390 : vector<16xf32>
        %add3A_394 = arith.addf %add3A_354, %div3A_376 : vector<16xf32>
        %mul3A_395 = arith.mulf %div3A_376, %div3A_376 : vector<16xf32>
        %add3A_396 = arith.addf %add3A_356, %mul3A_395 : vector<16xf32>
        %add3A_397 = arith.addf %add3A_357, %div3A_393 : vector<16xf32>
        %mul3A_398 = arith.mulf %div3A_393, %div3A_393 : vector<16xf32>
        %add3A_399 = arith.addf %add3A_359, %mul3A_398 : vector<16xf32>
        %scan3A_400 = arith.constant 2 : i32
        %scan3A_401 = arith.addi %scan3A_319, %scan3A_400 : i32
        %mul3A_402 = arith.constant 2 : i32
        %mul3A_403 = arith.muli %scan3A_401, %mul3A_402 : i32
        %mul3A_404 = arith.constant 16 : i32
        %mul3A_405 = arith.muli %mul3A_403, %mul3A_404 : i32
        %get3A_406 = arith.index_cast %mul3A_405 : i32 to index
        %get3A_407 = tpu.vector_load %arg5[%get3A_406] {strides = array<i32>} : memref<4096xf32, #tpu.memory_space<vmem>>, vector<16xf32>,
        %get3A_408 = vector.shape_cast %get3A_407 : vector<16xf32> to vector<16xf32>
        %add3A_409 = arith.addf %get3A_408, %sub3A_156 : vector<16xf32>
        %exp3A_410 = math.exp %add3A_409 : vector<16xf32>
        %add3A_411 = arith.constant 1.000000e+00 : f32
        %add3A_412 = vector.broadcast %add3A_411 : f32 to vector<16xf32>
        %add3A_413 = arith.addf %add3A_412, %exp3A_410 : vector<16xf32>
        %div3A_414 = arith.constant 1.000000e+00 : f32
        %div3A_415 = vector.broadcast %div3A_414 : f32 to vector<16xf32>
        %div3A_416 = arith.divf %div3A_415, %add3A_413 : vector<16xf32>
        %mul3A_417 = arith.constant 2 : i32
        %mul3A_418 = arith.muli %scan3A_401, %mul3A_417 : i32
        %mul3A_419 = arith.constant 16 : i32
        %mul3A_420 = arith.muli %mul3A_418, %mul3A_419 : i32
        %add3A_421 = arith.constant 16 : i32
        %add3A_422 = arith.addi %mul3A_420, %add3A_421 : i32
        %get3A_423 = arith.index_cast %add3A_422 : i32 to index
        %get3A_424 = tpu.vector_load %arg5[%get3A_423] {strides = array<i32>} : memref<4096xf32, #tpu.memory_space<vmem>>, vector<16xf32>,
        %get3A_425 = vector.shape_cast %get3A_424 : vector<16xf32> to vector<16xf32>
        %add3A_426 = arith.addf %get3A_425, %sub3A_156 : vector<16xf32>
        %exp3A_427 = math.exp %add3A_426 : vector<16xf32>
        %add3A_428 = arith.constant 1.000000e+00 : f32
        %add3A_429 = vector.broadcast %add3A_428 : f32 to vector<16xf32>
        %add3A_430 = arith.addf %add3A_429, %exp3A_427 : vector<16xf32>
        %div3A_431 = arith.constant 1.000000e+00 : f32
        %div3A_432 = vector.broadcast %div3A_431 : f32 to vector<16xf32>
        %div3A_433 = arith.divf %div3A_432, %add3A_430 : vector<16xf32>
        %add3A_434 = arith.addf %add3A_394, %div3A_416 : vector<16xf32>
        %mul3A_435 = arith.mulf %div3A_416, %div3A_416 : vector<16xf32>
        %add3A_436 = arith.addf %add3A_396, %mul3A_435 : vector<16xf32>
        %add3A_437 = arith.addf %add3A_397, %div3A_433 : vector<16xf32>
        %mul3A_438 = arith.mulf %div3A_433, %div3A_433 : vector<16xf32>
        %add3A_439 = arith.addf %add3A_399, %mul3A_438 : vector<16xf32>
        %scan3A_440 = arith.constant 3 : i32
        %scan3A_441 = arith.addi %scan3A_319, %scan3A_440 : i32
        %mul3A_442 = arith.constant 2 : i32
        %mul3A_443 = arith.muli %scan3A_441, %mul3A_442 : i32
        %mul3A_444 = arith.constant 16 : i32
        %mul3A_445 = arith.muli %mul3A_443, %mul3A_444 : i32
        %get3A_446 = arith.index_cast %mul3A_445 : i32 to index
        %get3A_447 = tpu.vector_load %arg5[%get3A_446] {strides = array<i32>} : memref<4096xf32, #tpu.memory_space<vmem>>, vector<16xf32>,
        %get3A_448 = vector.shape_cast %get3A_447 : vector<16xf32> to vector<16xf32>
        %add3A_449 = arith.addf %get3A_448, %sub3A_156 : vector<16xf32>
        %exp3A_450 = math.exp %add3A_449 : vector<16xf32>
        %add3A_451 = arith.constant 1.000000e+00 : f32
        %add3A_452 = vector.broadcast %add3A_451 : f32 to vector<16xf32>
        %add3A_453 = arith.addf %add3A_452, %exp3A_450 : vector<16xf32>
        %div3A_454 = arith.constant 1.000000e+00 : f32
        %div3A_455 = vector.broadcast %div3A_454 : f32 to vector<16xf32>
        %div3A_456 = arith.divf %div3A_455, %add3A_453 : vector<16xf32>
        %mul3A_457 = arith.constant 2 : i32
        %mul3A_458 = arith.muli %scan3A_441, %mul3A_457 : i32
        %mul3A_459 = arith.constant 16 : i32
        %mul3A_460 = arith.muli %mul3A_458, %mul3A_459 : i32
        %add3A_461 = arith.constant 16 : i32
        %add3A_462 = arith.addi %mul3A_460, %add3A_461 : i32
        %get3A_463 = arith.index_cast %add3A_462 : i32 to index
        %get3A_464 = tpu.vector_load %arg5[%get3A_463] {strides = array<i32>} : memref<4096xf32, #tpu.memory_space<vmem>>, vector<16xf32>,
        %get3A_465 = vector.shape_cast %get3A_464 : vector<16xf32> to vector<16xf32>
        %add3A_466 = arith.addf %get3A_465, %sub3A_156 : vector<16xf32>
        %exp3A_467 = math.exp %add3A_466 : vector<16xf32>
        %add3A_468 = arith.constant 1.000000e+00 : f32
        %add3A_469 = vector.broadcast %add3A_468 : f32 to vector<16xf32>
        %add3A_470 = arith.addf %add3A_469, %exp3A_467 : vector<16xf32>
        %div3A_471 = arith.constant 1.000000e+00 : f32
        %div3A_472 = vector.broadcast %div3A_471 : f32 to vector<16xf32>
        %div3A_473 = arith.divf %div3A_472, %add3A_470 : vector<16xf32>
        %add3A_474 = arith.addf %add3A_434, %div3A_456 : vector<16xf32>
        %mul3A_475 = arith.mulf %div3A_456, %div3A_456 : vector<16xf32>
        %add3A_476 = arith.addf %add3A_436, %mul3A_475 : vector<16xf32>
        %add3A_477 = arith.addf %add3A_437, %div3A_473 : vector<16xf32>
        %mul3A_478 = arith.mulf %div3A_473, %div3A_473 : vector<16xf32>
        %add3A_479 = arith.addf %add3A_439, %mul3A_478 : vector<16xf32>
        %scan3A_480 = arith.constant 4 : i32
        %scan3A_481 = arith.addi %scan3A_319, %scan3A_480 : i32
        %mul3A_482 = arith.constant 2 : i32
        %mul3A_483 = arith.muli %scan3A_481, %mul3A_482 : i32
        %mul3A_484 = arith.constant 16 : i32
        %mul3A_485 = arith.muli %mul3A_483, %mul3A_484 : i32
        %get3A_486 = arith.index_cast %mul3A_485 : i32 to index
        %get3A_487 = tpu.vector_load %arg5[%get3A_486] {strides = array<i32>} : memref<4096xf32, #tpu.memory_space<vmem>>, vector<16xf32>,
        %get3A_488 = vector.shape_cast %get3A_487 : vector<16xf32> to vector<16xf32>
        %add3A_489 = arith.addf %get3A_488, %sub3A_156 : vector<16xf32>
        %exp3A_490 = math.exp %add3A_489 : vector<16xf32>
        %add3A_491 = arith.constant 1.000000e+00 : f32
        %add3A_492 = vector.broadcast %add3A_491 : f32 to vector<16xf32>
        %add3A_493 = arith.addf %add3A_492, %exp3A_490 : vector<16xf32>
        %div3A_494 = arith.constant 1.000000e+00 : f32
        %div3A_495 = vector.broadcast %div3A_494 : f32 to vector<16xf32>
        %div3A_496 = arith.divf %div3A_495, %add3A_493 : vector<16xf32>
        %mul3A_497 = arith.constant 2 : i32
        %mul3A_498 = arith.muli %scan3A_481, %mul3A_497 : i32
        %mul3A_499 = arith.constant 16 : i32
        %mul3A_500 = arith.muli %mul3A_498, %mul3A_499 : i32
        %add3A_501 = arith.constant 16 : i32
        %add3A_502 = arith.addi %mul3A_500, %add3A_501 : i32
        %get3A_503 = arith.index_cast %add3A_502 : i32 to index
        %get3A_504 = tpu.vector_load %arg5[%get3A_503] {strides = array<i32>} : memref<4096xf32, #tpu.memory_space<vmem>>, vector<16xf32>,
        %get3A_505 = vector.shape_cast %get3A_504 : vector<16xf32> to vector<16xf32>
        %add3A_506 = arith.addf %get3A_505, %sub3A_156 : vector<16xf32>
        %exp3A_507 = math.exp %add3A_506 : vector<16xf32>
        %add3A_508 = arith.constant 1.000000e+00 : f32
        %add3A_509 = vector.broadcast %add3A_508 : f32 to vector<16xf32>
        %add3A_510 = arith.addf %add3A_509, %exp3A_507 : vector<16xf32>
        %div3A_511 = arith.constant 1.000000e+00 : f32
        %div3A_512 = vector.broadcast %div3A_511 : f32 to vector<16xf32>
        %div3A_513 = arith.divf %div3A_512, %add3A_510 : vector<16xf32>
        %add3A_514 = arith.addf %add3A_474, %div3A_496 : vector<16xf32>
        %mul3A_515 = arith.mulf %div3A_496, %div3A_496 : vector<16xf32>
        %add3A_516 = arith.addf %add3A_476, %mul3A_515 : vector<16xf32>
        %add3A_517 = arith.addf %add3A_477, %div3A_513 : vector<16xf32>
        %mul3A_518 = arith.mulf %div3A_513, %div3A_513 : vector<16xf32>
        %add3A_519 = arith.addf %add3A_479, %mul3A_518 : vector<16xf32>
        %scan3A_520 = arith.constant 5 : i32
        %scan3A_521 = arith.addi %scan3A_319, %scan3A_520 : i32
        %mul3A_522 = arith.constant 2 : i32
        %mul3A_523 = arith.muli %scan3A_521, %mul3A_522 : i32
        %mul3A_524 = arith.constant 16 : i32
        %mul3A_525 = arith.muli %mul3A_523, %mul3A_524 : i32
        %get3A_526 = arith.index_cast %mul3A_525 : i32 to index
        %get3A_527 = tpu.vector_load %arg5[%get3A_526] {strides = array<i32>} : memref<4096xf32, #tpu.memory_space<vmem>>, vector<16xf32>,
        %get3A_528 = vector.shape_cast %get3A_527 : vector<16xf32> to vector<16xf32>
        %add3A_529 = arith.addf %get3A_528, %sub3A_156 : vector<16xf32>
        %exp3A_530 = math.exp %add3A_529 : vector<16xf32>
        %add3A_531 = arith.constant 1.000000e+00 : f32
        %add3A_532 = vector.broadcast %add3A_531 : f32 to vector<16xf32>
        %add3A_533 = arith.addf %add3A_532, %exp3A_530 : vector<16xf32>
        %div3A_534 = arith.constant 1.000000e+00 : f32
        %div3A_535 = vector.broadcast %div3A_534 : f32 to vector<16xf32>
        %div3A_536 = arith.divf %div3A_535, %add3A_533 : vector<16xf32>
        %mul3A_537 = arith.constant 2 : i32
        %mul3A_538 = arith.muli %scan3A_521, %mul3A_537 : i32
        %mul3A_539 = arith.constant 16 : i32
        %mul3A_540 = arith.muli %mul3A_538, %mul3A_539 : i32
        %add3A_541 = arith.constant 16 : i32
        %add3A_542 = arith.addi %mul3A_540, %add3A_541 : i32
        %get3A_543 = arith.index_cast %add3A_542 : i32 to index
        %get3A_544 = tpu.vector_load %arg5[%get3A_543] {strides = array<i32>} : memref<4096xf32, #tpu.memory_space<vmem>>, vector<16xf32>,
        %get3A_545 = vector.shape_cast %get3A_544 : vector<16xf32> to vector<16xf32>
        %add3A_546 = arith.addf %get3A_545, %sub3A_156 : vector<16xf32>
        %exp3A_547 = math.exp %add3A_546 : vector<16xf32>
        %add3A_548 = arith.constant 1.000000e+00 : f32
        %add3A_549 = vector.broadcast %add3A_548 : f32 to vector<16xf32>
        %add3A_550 = arith.addf %add3A_549, %exp3A_547 : vector<16xf32>
        %div3A_551 = arith.constant 1.000000e+00 : f32
        %div3A_552 = vector.broadcast %div3A_551 : f32 to vector<16xf32>
        %div3A_553 = arith.divf %div3A_552, %add3A_550 : vector<16xf32>
        %add3A_554 = arith.addf %add3A_514, %div3A_536 : vector<16xf32>
        %mul3A_555 = arith.mulf %div3A_536, %div3A_536 : vector<16xf32>
        %add3A_556 = arith.addf %add3A_516, %mul3A_555 : vector<16xf32>
        %add3A_557 = arith.addf %add3A_517, %div3A_553 : vector<16xf32>
        %mul3A_558 = arith.mulf %div3A_553, %div3A_553 : vector<16xf32>
        %add3A_559 = arith.addf %add3A_519, %mul3A_558 : vector<16xf32>
        %scan3A_560 = arith.constant 6 : i32
        %scan3A_561 = arith.addi %scan3A_319, %scan3A_560 : i32
        %mul3A_562 = arith.constant 2 : i32
        %mul3A_563 = arith.muli %scan3A_561, %mul3A_562 : i32
        %mul3A_564 = arith.constant 16 : i32
        %mul3A_565 = arith.muli %mul3A_563, %mul3A_564 : i32
        %get3A_566 = arith.index_cast %mul3A_565 : i32 to index
        %get3A_567 = tpu.vector_load %arg5[%get3A_566] {strides = array<i32>} : memref<4096xf32, #tpu.memory_space<vmem>>, vector<16xf32>,
        %get3A_568 = vector.shape_cast %get3A_567 : vector<16xf32> to vector<16xf32>
        %add3A_569 = arith.addf %get3A_568, %sub3A_156 : vector<16xf32>
        %exp3A_570 = math.exp %add3A_569 : vector<16xf32>
        %add3A_571 = arith.constant 1.000000e+00 : f32
        %add3A_572 = vector.broadcast %add3A_571 : f32 to vector<16xf32>
        %add3A_573 = arith.addf %add3A_572, %exp3A_570 : vector<16xf32>
        %div3A_574 = arith.constant 1.000000e+00 : f32
        %div3A_575 = vector.broadcast %div3A_574 : f32 to vector<16xf32>
        %div3A_576 = arith.divf %div3A_575, %add3A_573 : vector<16xf32>
        %mul3A_577 = arith.constant 2 : i32
        %mul3A_578 = arith.muli %scan3A_561, %mul3A_577 : i32
        %mul3A_579 = arith.constant 16 : i32
        %mul3A_580 = arith.muli %mul3A_578, %mul3A_579 : i32
        %add3A_581 = arith.constant 16 : i32
        %add3A_582 = arith.addi %mul3A_580, %add3A_581 : i32
        %get3A_583 = arith.index_cast %add3A_582 : i32 to index
        %get3A_584 = tpu.vector_load %arg5[%get3A_583] {strides = array<i32>} : memref<4096xf32, #tpu.memory_space<vmem>>, vector<16xf32>,
        %get3A_585 = vector.shape_cast %get3A_584 : vector<16xf32> to vector<16xf32>
        %add3A_586 = arith.addf %get3A_585, %sub3A_156 : vector<16xf32>
        %exp3A_587 = math.exp %add3A_586 : vector<16xf32>
        %add3A_588 = arith.constant 1.000000e+00 : f32
        %add3A_589 = vector.broadcast %add3A_588 : f32 to vector<16xf32>
        %add3A_590 = arith.addf %add3A_589, %exp3A_587 : vector<16xf32>
        %div3A_591 = arith.constant 1.000000e+00 : f32
        %div3A_592 = vector.broadcast %div3A_591 : f32 to vector<16xf32>
        %div3A_593 = arith.divf %div3A_592, %add3A_590 : vector<16xf32>
        %add3A_594 = arith.addf %add3A_554, %div3A_576 : vector<16xf32>
        %mul3A_595 = arith.mulf %div3A_576, %div3A_576 : vector<16xf32>
        %add3A_596 = arith.addf %add3A_556, %mul3A_595 : vector<16xf32>
        %add3A_597 = arith.addf %add3A_557, %div3A_593 : vector<16xf32>
        %mul3A_598 = arith.mulf %div3A_593, %div3A_593 : vector<16xf32>
        %add3A_599 = arith.addf %add3A_559, %mul3A_598 : vector<16xf32>
        %scan3A_600 = arith.constant 7 : i32
        %scan3A_601 = arith.addi %scan3A_319, %scan3A_600 : i32
        %mul3A_602 = arith.constant 2 : i32
        %mul3A_603 = arith.muli %scan3A_601, %mul3A_602 : i32
        %mul3A_604 = arith.constant 16 : i32
        %mul3A_605 = arith.muli %mul3A_603, %mul3A_604 : i32
        %get3A_606 = arith.index_cast %mul3A_605 : i32 to index
        %get3A_607 = tpu.vector_load %arg5[%get3A_606] {strides = array<i32>} : memref<4096xf32, #tpu.memory_space<vmem>>, vector<16xf32>,
        %get3A_608 = vector.shape_cast %get3A_607 : vector<16xf32> to vector<16xf32>
        %add3A_609 = arith.addf %get3A_608, %sub3A_156 : vector<16xf32>
        %exp3A_610 = math.exp %add3A_609 : vector<16xf32>
        %add3A_611 = arith.constant 1.000000e+00 : f32
        %add3A_612 = vector.broadcast %add3A_611 : f32 to vector<16xf32>
        %add3A_613 = arith.addf %add3A_612, %exp3A_610 : vector<16xf32>
        %div3A_614 = arith.constant 1.000000e+00 : f32
        %div3A_615 = vector.broadcast %div3A_614 : f32 to vector<16xf32>
        %div3A_616 = arith.divf %div3A_615, %add3A_613 : vector<16xf32>
        %mul3A_617 = arith.constant 2 : i32
        %mul3A_618 = arith.muli %scan3A_601, %mul3A_617 : i32
        %mul3A_619 = arith.constant 16 : i32
        %mul3A_620 = arith.muli %mul3A_618, %mul3A_619 : i32
        %add3A_621 = arith.constant 16 : i32
        %add3A_622 = arith.addi %mul3A_620, %add3A_621 : i32
        %get3A_623 = arith.index_cast %add3A_622 : i32 to index
        %get3A_624 = tpu.vector_load %arg5[%get3A_623] {strides = array<i32>} : memref<4096xf32, #tpu.memory_space<vmem>>, vector<16xf32>,
        %get3A_625 = vector.shape_cast %get3A_624 : vector<16xf32> to vector<16xf32>
        %add3A_626 = arith.addf %get3A_625, %sub3A_156 : vector<16xf32>
        %exp3A_627 = math.exp %add3A_626 : vector<16xf32>
        %add3A_628 = arith.constant 1.000000e+00 : f32
        %add3A_629 = vector.broadcast %add3A_628 : f32 to vector<16xf32>
        %add3A_630 = arith.addf %add3A_629, %exp3A_627 : vector<16xf32>
        %div3A_631 = arith.constant 1.000000e+00 : f32
        %div3A_632 = vector.broadcast %div3A_631 : f32 to vector<16xf32>
        %div3A_633 = arith.divf %div3A_632, %add3A_630 : vector<16xf32>
        %add3A_634 = arith.addf %add3A_594, %div3A_616 : vector<16xf32>
        %mul3A_635 = arith.mulf %div3A_616, %div3A_616 : vector<16xf32>
        %add3A_636 = arith.addf %add3A_596, %mul3A_635 : vector<16xf32>
        %add3A_637 = arith.addf %add3A_597, %div3A_633 : vector<16xf32>
        %mul3A_638 = arith.mulf %div3A_633, %div3A_633 : vector<16xf32>
        %add3A_639 = arith.addf %add3A_599, %mul3A_638 : vector<16xf32>
        scf.yield %add3A_634, %add3A_636, %add3A_637, %add3A_639 : vector<16xf32>, vector<16xf32>, vector<16xf32>, vector<16xf32>
      }
      %scan3A_164 = arith.constant 128 : i32
      %add3A_165 = arith.addf %scan3A_163#0, %scan3A_163#2 : vector<16xf32>
      %iota3A_166 = tpu.iota {dimensions = array<i32: 0>} : vector<16xi32>
      %xor3A_167 = arith.constant 8 : i32
      %xor3A_168 = vector.broadcast %xor3A_167 : i32 to vector<16xi32>
      %xor3A_169 = arith.xori %iota3A_166, %xor3A_168 : vector<16xi32>
      %lt3A_170 = arith.constant 0 : i32
      %lt3A_171 = vector.broadcast %lt3A_170 : i32 to vector<16xi32>
      %lt3A_172 = arith.cmpi slt, %xor3A_169, %lt3A_171 : vector<16xi32>
      %add3A_173 = arith.constant 16 : i32
      %add3A_174 = vector.broadcast %add3A_173 : i32 to vector<16xi32>
      %add3A_175 = arith.addi %xor3A_169, %add3A_174 : vector<16xi32>
      %select_n3A_176 = arith.select %lt3A_172, %add3A_175, %xor3A_169 : vector<16xi1>, vector<16xi32>
      %broadcast_in_dim3A_177 = vector.shape_cast %select_n3A_176 : vector<16xi32> to vector<16x1xi32>
      %gather3A_178 = vector.shape_cast %broadcast_in_dim3A_177 : vector<16x1xi32> to vector<16xi32>
      %gather3A_179 = tpu.dynamic_gather %add3A_165[%gather3A_178] in [0] : vector<16xf32>, vector<16xi32> -> vector<16xf32>
      %add3A_180 = arith.addf %add3A_165, %gather3A_179 : vector<16xf32>
      %xor3A_181 = arith.constant 4 : i32
      %xor3A_182 = vector.broadcast %xor3A_181 : i32 to vector<16xi32>
      %xor3A_183 = arith.xori %iota3A_166, %xor3A_182 : vector<16xi32>
      %lt3A_184 = arith.constant 0 : i32
      %lt3A_185 = vector.broadcast %lt3A_184 : i32 to vector<16xi32>
      %lt3A_186 = arith.cmpi slt, %xor3A_183, %lt3A_185 : vector<16xi32>
      %add3A_187 = arith.constant 16 : i32
      %add3A_188 = vector.broadcast %add3A_187 : i32 to vector<16xi32>
      %add3A_189 = arith.addi %xor3A_183, %add3A_188 : vector<16xi32>
      %select_n3A_190 = arith.select %lt3A_186, %add3A_189, %xor3A_183 : vector<16xi1>, vector<16xi32>
      %broadcast_in_dim3A_191 = vector.shape_cast %select_n3A_190 : vector<16xi32> to vector<16x1xi32>
      %gather3A_192 = vector.shape_cast %broadcast_in_dim3A_191 : vector<16x1xi32> to vector<16xi32>
      %gather3A_193 = tpu.dynamic_gather %add3A_180[%gather3A_192] in [0] : vector<16xf32>, vector<16xi32> -> vector<16xf32>
      %add3A_194 = arith.addf %add3A_180, %gather3A_193 : vector<16xf32>
      %xor3A_195 = arith.constant 2 : i32
      %xor3A_196 = vector.broadcast %xor3A_195 : i32 to vector<16xi32>
      %xor3A_197 = arith.xori %iota3A_166, %xor3A_196 : vector<16xi32>
      %lt3A_198 = arith.constant 0 : i32
      %lt3A_199 = vector.broadcast %lt3A_198 : i32 to vector<16xi32>
      %lt3A_200 = arith.cmpi slt, %xor3A_197, %lt3A_199 : vector<16xi32>
      %add3A_201 = arith.constant 16 : i32
      %add3A_202 = vector.broadcast %add3A_201 : i32 to vector<16xi32>
      %add3A_203 = arith.addi %xor3A_197, %add3A_202 : vector<16xi32>
      %select_n3A_204 = arith.select %lt3A_200, %add3A_203, %xor3A_197 : vector<16xi1>, vector<16xi32>
      %broadcast_in_dim3A_205 = vector.shape_cast %select_n3A_204 : vector<16xi32> to vector<16x1xi32>
      %gather3A_206 = vector.shape_cast %broadcast_in_dim3A_205 : vector<16x1xi32> to vector<16xi32>
      %gather3A_207 = tpu.dynamic_gather %add3A_194[%gather3A_206] in [0] : vector<16xf32>, vector<16xi32> -> vector<16xf32>
      %add3A_208 = arith.addf %add3A_194, %gather3A_207 : vector<16xf32>
      %xor3A_209 = arith.constant 1 : i32
      %xor3A_210 = vector.broadcast %xor3A_209 : i32 to vector<16xi32>
      %xor3A_211 = arith.xori %iota3A_166, %xor3A_210 : vector<16xi32>
      %lt3A_212 = arith.constant 0 : i32
      %lt3A_213 = vector.broadcast %lt3A_212 : i32 to vector<16xi32>
      %lt3A_214 = arith.cmpi slt, %xor3A_211, %lt3A_213 : vector<16xi32>
      %add3A_215 = arith.constant 16 : i32
      %add3A_216 = vector.broadcast %add3A_215 : i32 to vector<16xi32>
      %add3A_217 = arith.addi %xor3A_211, %add3A_216 : vector<16xi32>
      %select_n3A_218 = arith.select %lt3A_214, %add3A_217, %xor3A_211 : vector<16xi1>, vector<16xi32>
      %broadcast_in_dim3A_219 = vector.shape_cast %select_n3A_218 : vector<16xi32> to vector<16x1xi32>
      %gather3A_220 = vector.shape_cast %broadcast_in_dim3A_219 : vector<16x1xi32> to vector<16xi32>
      %gather3A_221 = tpu.dynamic_gather %add3A_208[%gather3A_220] in [0] : vector<16xf32>, vector<16xi32> -> vector<16xf32>
      %add3A_222 = arith.addf %add3A_208, %gather3A_221 : vector<16xf32>
      %sub3A_223 = arith.constant 6.400000e+01 : f32
      %sub3A_224 = vector.broadcast %sub3A_223 : f32 to vector<16xf32>
      %sub3A_225 = arith.subf %add3A_222, %sub3A_224 : vector<16xf32>
      %add3A_226 = arith.addf %scan3A_163#1, %scan3A_163#3 : vector<16xf32>
      %iota3A_227 = tpu.iota {dimensions = array<i32: 0>} : vector<16xi32>
      %xor3A_228 = arith.constant 8 : i32
      %xor3A_229 = vector.broadcast %xor3A_228 : i32 to vector<16xi32>
      %xor3A_230 = arith.xori %iota3A_227, %xor3A_229 : vector<16xi32>
      %lt3A_231 = arith.constant 0 : i32
      %lt3A_232 = vector.broadcast %lt3A_231 : i32 to vector<16xi32>
      %lt3A_233 = arith.cmpi slt, %xor3A_230, %lt3A_232 : vector<16xi32>
      %add3A_234 = arith.constant 16 : i32
      %add3A_235 = vector.broadcast %add3A_234 : i32 to vector<16xi32>
      %add3A_236 = arith.addi %xor3A_230, %add3A_235 : vector<16xi32>
      %select_n3A_237 = arith.select %lt3A_233, %add3A_236, %xor3A_230 : vector<16xi1>, vector<16xi32>
      %broadcast_in_dim3A_238 = vector.shape_cast %select_n3A_237 : vector<16xi32> to vector<16x1xi32>
      %gather3A_239 = vector.shape_cast %broadcast_in_dim3A_238 : vector<16x1xi32> to vector<16xi32>
      %gather3A_240 = tpu.dynamic_gather %add3A_226[%gather3A_239] in [0] : vector<16xf32>, vector<16xi32> -> vector<16xf32>
      %add3A_241 = arith.addf %add3A_226, %gather3A_240 : vector<16xf32>
      %xor3A_242 = arith.constant 4 : i32
      %xor3A_243 = vector.broadcast %xor3A_242 : i32 to vector<16xi32>
      %xor3A_244 = arith.xori %iota3A_227, %xor3A_243 : vector<16xi32>
      %lt3A_245 = arith.constant 0 : i32
      %lt3A_246 = vector.broadcast %lt3A_245 : i32 to vector<16xi32>
      %lt3A_247 = arith.cmpi slt, %xor3A_244, %lt3A_246 : vector<16xi32>
      %add3A_248 = arith.constant 16 : i32
      %add3A_249 = vector.broadcast %add3A_248 : i32 to vector<16xi32>
      %add3A_250 = arith.addi %xor3A_244, %add3A_249 : vector<16xi32>
      %select_n3A_251 = arith.select %lt3A_247, %add3A_250, %xor3A_244 : vector<16xi1>, vector<16xi32>
      %broadcast_in_dim3A_252 = vector.shape_cast %select_n3A_251 : vector<16xi32> to vector<16x1xi32>
      %gather3A_253 = vector.shape_cast %broadcast_in_dim3A_252 : vector<16x1xi32> to vector<16xi32>
      %gather3A_254 = tpu.dynamic_gather %add3A_241[%gather3A_253] in [0] : vector<16xf32>, vector<16xi32> -> vector<16xf32>
      %add3A_255 = arith.addf %add3A_241, %gather3A_254 : vector<16xf32>
      %xor3A_256 = arith.constant 2 : i32
      %xor3A_257 = vector.broadcast %xor3A_256 : i32 to vector<16xi32>
      %xor3A_258 = arith.xori %iota3A_227, %xor3A_257 : vector<16xi32>
      %lt3A_259 = arith.constant 0 : i32
      %lt3A_260 = vector.broadcast %lt3A_259 : i32 to vector<16xi32>
      %lt3A_261 = arith.cmpi slt, %xor3A_258, %lt3A_260 : vector<16xi32>
      %add3A_262 = arith.constant 16 : i32
      %add3A_263 = vector.broadcast %add3A_262 : i32 to vector<16xi32>
      %add3A_264 = arith.addi %xor3A_258, %add3A_263 : vector<16xi32>
      %select_n3A_265 = arith.select %lt3A_261, %add3A_264, %xor3A_258 : vector<16xi1>, vector<16xi32>
      %broadcast_in_dim3A_266 = vector.shape_cast %select_n3A_265 : vector<16xi32> to vector<16x1xi32>
      %gather3A_267 = vector.shape_cast %broadcast_in_dim3A_266 : vector<16x1xi32> to vector<16xi32>
      %gather3A_268 = tpu.dynamic_gather %add3A_255[%gather3A_267] in [0] : vector<16xf32>, vector<16xi32> -> vector<16xf32>
      %add3A_269 = arith.addf %add3A_255, %gather3A_268 : vector<16xf32>
      %xor3A_270 = arith.constant 1 : i32
      %xor3A_271 = vector.broadcast %xor3A_270 : i32 to vector<16xi32>
      %xor3A_272 = arith.xori %iota3A_227, %xor3A_271 : vector<16xi32>
      %lt3A_273 = arith.constant 0 : i32
      %lt3A_274 = vector.broadcast %lt3A_273 : i32 to vector<16xi32>
      %lt3A_275 = arith.cmpi slt, %xor3A_272, %lt3A_274 : vector<16xi32>
      %add3A_276 = arith.constant 16 : i32
      %add3A_277 = vector.broadcast %add3A_276 : i32 to vector<16xi32>
      %add3A_278 = arith.addi %xor3A_272, %add3A_277 : vector<16xi32>
      %select_n3A_279 = arith.select %lt3A_275, %add3A_278, %xor3A_272 : vector<16xi1>, vector<16xi32>
      %broadcast_in_dim3A_280 = vector.shape_cast %select_n3A_279 : vector<16xi32> to vector<16x1xi32>
      %gather3A_281 = vector.shape_cast %broadcast_in_dim3A_280 : vector<16x1xi32> to vector<16xi32>
      %gather3A_282 = tpu.dynamic_gather %add3A_269[%gather3A_281] in [0] : vector<16xf32>, vector<16xi32> -> vector<16xf32>
      %add3A_283 = arith.addf %add3A_269, %gather3A_282 : vector<16xf32>
      %sub3A_284 = arith.subf %add3A_222, %add3A_283 : vector<16xf32>
      %add3A_285 = arith.constant 1.000000e-30 : f32
      %add3A_286 = vector.broadcast %add3A_285 : f32 to vector<16xf32>
      %add3A_287 = arith.addf %sub3A_284, %add3A_286 : vector<16xf32>
      %abs3A = math.absf %sub3A_225 : vector<16xf32>
      %lt3A_288 = arith.cmpf olt, %abs3A, %scan3A_153 : vector<16xf32>
      %select_n3A_289 = arith.select %lt3A_288, %scan3A_149, %scan3A_152 : vector<16xi1>, vector<16xf32>
      %select_n3A_290 = arith.select %lt3A_288, %abs3A, %scan3A_153 : vector<16xi1>, vector<16xf32>
      %lt3A_291 = arith.constant 0.000000e+00 : f32
      %lt3A_292 = vector.broadcast %lt3A_291 : f32 to vector<16xf32>
      %lt3A_293 = arith.cmpf olt, %sub3A_225, %lt3A_292 : vector<16xf32>
      %select_n3A_294 = arith.select %lt3A_293, %scan3A_149, %scan3A_147 : vector<16xi1>, vector<16xf32>
      %select_n3A_295 = arith.select %lt3A_293, %scan3A_148, %scan3A_149 : vector<16xi1>, vector<16xf32>
      %sub3A_296 = arith.subf %scan3A_149, %select_n3A_295 : vector<16xf32>
      %mul3A_297 = arith.mulf %sub3A_296, %add3A_287 : vector<16xf32>
      %sub3A_298 = arith.subf %mul3A_297, %sub3A_225 : vector<16xf32>
      %sub3A_299 = arith.subf %scan3A_149, %select_n3A_294 : vector<16xf32>
      %mul3A_300 = arith.mulf %sub3A_299, %add3A_287 : vector<16xf32>
      %sub3A_301 = arith.subf %mul3A_300, %sub3A_225 : vector<16xf32>
      %mul3A_302 = arith.mulf %sub3A_298, %sub3A_301 : vector<16xf32>
      %gt3A = arith.constant 0.000000e+00 : f32
      %gt3A_303 = vector.broadcast %gt3A : f32 to vector<16xf32>
      %gt3A_304 = arith.cmpf ogt, %mul3A_302, %gt3A_303 : vector<16xf32>
      %mul3A_305 = arith.constant 2.000000e+00 : f32
      %mul3A_306 = vector.broadcast %mul3A_305 : f32 to vector<16xf32>
      %mul3A_307 = arith.mulf %mul3A_306, %abs3A : vector<16xf32>
      %mul3A_308 = arith.mulf %scan3A_151, %add3A_287 : vector<16xf32>
      %abs3A_309 = math.absf %mul3A_308 : vector<16xf32>
      %gt3A_310 = arith.cmpf ogt, %mul3A_307, %abs3A_309 : vector<16xf32>
      %or3A = arith.ori %gt3A_304, %gt3A_310 : vector<16xi1>
      %div3A = arith.divf %sub3A_225, %add3A_287 : vector<16xf32>
      %sub3A_311 = arith.subf %select_n3A_295, %select_n3A_294 : vector<16xf32>
      %mul3A_312 = arith.constant 5.000000e-01 : f32
      %mul3A_313 = vector.broadcast %mul3A_312 : f32 to vector<16xf32>
      %mul3A_314 = arith.mulf %mul3A_313, %sub3A_311 : vector<16xf32>
      %select_n3A_315 = arith.select %or3A, %mul3A_314, %div3A : vector<16xi1>, vector<16xf32>
      %add3A_316 = arith.addf %select_n3A_294, %mul3A_314 : vector<16xf32>
      %sub3A_317 = arith.subf %scan3A_149, %div3A : vector<16xf32>
      %select_n3A_318 = arith.select %or3A, %add3A_316, %sub3A_317 : vector<16xi1>, vector<16xf32>
      scf.yield %select_n3A_294, %select_n3A_295, %select_n3A_318, %select_n3A_315, %scan3A_150, %select_n3A_289, %select_n3A_290 : vector<16xf32>, vector<16xf32>, vector<16xf32>, vector<16xf32>, vector<16xf32>, vector<16xf32>, vector<16xf32>
    }
    %scan3A_133 = arith.constant 7 : i32
    %sub3A_134 = arith.constant 0.000000e+00 : f32
    %sub3A_135 = vector.broadcast %sub3A_134 : f32 to vector<16xf32>
    %sub3A_136 = arith.subf %sub3A_135, %scan3A_132#5 : vector<16xf32>
    %swap3A = arith.constant 0 : index
    %swap3A_137 = tpu.vector_load %arg7[%swap3A] {strides = array<i32>} : memref<16xf32, #tpu.memory_space<vmem>>, vector<16xf32>,
    %swap3A_138 = vector.shape_cast %swap3A_137 : vector<16xf32> to vector<16xf32>
    %swap3A_139 = vector.shape_cast %scan3A_132#5 : vector<16xf32> to vector<16xf32>
    tpu.vector_store %arg7[%swap3A], %swap3A_139 {strides = array<i32>} : memref<16xf32, #tpu.memory_space<vmem>>, vector<16xf32>,
    %mul3A_140 = arith.constant 16 : i32
    %mul3A_141 = arith.muli %arg1, %mul3A_140 : i32
    "tpu.region"() ({
      %run_scoped3A = tpu.sem_alloc : memref<!tpu.dma_semaphore, #tpu.memory_space<semaphore_mem>>
      %dma_start3A = tpu.memref_slice %arg8[%mul3A_141] : memref<256xf32, #tpu.memory_space<vmem_shared>> -> memref<16xf32, #tpu.memory_space<vmem_shared>>
      %dma_start3A_146 = tpu.memref_slice %arg8[%mul3A_141] : memref<256xf32, #tpu.memory_space<vmem_shared>> -> memref<16xf32, #tpu.memory_space<vmem_shared>>
      tpu.enqueue_dma source(%arg7 : memref<16xf32, #tpu.memory_space<vmem>>) target(%dma_start3A_146 : memref<16xf32, #tpu.memory_space<vmem_shared>>) target_semaphore(%run_scoped3A : memref<!tpu.dma_semaphore, #tpu.memory_space<semaphore_mem>>)
      %dma_wait3A = tpu.memref_slice %arg8[%mul3A_141] : memref<256xf32, #tpu.memory_space<vmem_shared>> -> memref<16xf32, #tpu.memory_space<vmem_shared>>
      %dma_wait3A_147 = tpu.memref_slice %arg8[%mul3A_141] : memref<256xf32, #tpu.memory_space<vmem_shared>> -> memref<16xf32, #tpu.memory_space<vmem_shared>>
      tpu.wait_dma2 semaphore(%run_scoped3A : memref<!tpu.dma_semaphore, #tpu.memory_space<semaphore_mem>>) src(%arg7 : memref<16xf32, #tpu.memory_space<vmem>>) dst(%dma_wait3A_147 : memref<16xf32, #tpu.memory_space<vmem_shared>>)
      tpu.yield
    }) : () -> ()
    %parallel_loop3A = arith.constant 0 : i32
    %parallel_loop3A_142 = arith.constant 256 : i32
    %parallel_loop3A_143 = arith.constant 1 : i32
    scf.for %parallel_loop3A_146 = %parallel_loop3A to %parallel_loop3A_142 step %parallel_loop3A_143  : i32 {
      %parallel_loop3A_147 = arith.constant 16 : i32
      %parallel_loop3A_148 = arith.muli %parallel_loop3A_146, %parallel_loop3A_147 : i32
      %parallel_loop3A_149 = arith.index_cast %parallel_loop3A_148 : i32 to index
      %parallel_loop3A_150 = tpu.vector_load %arg5[%parallel_loop3A_149] {strides = array<i32>} : memref<4096xf32, #tpu.memory_space<vmem>>, vector<16xf32>,
      %parallel_loop3A_151 = vector.shape_cast %parallel_loop3A_150 : vector<16xf32> to vector<16xf32>
      %parallel_loop3A_152 = arith.addf %parallel_loop3A_151, %sub3A_136 : vector<16xf32>
      %parallel_loop3A_153 = math.exp %parallel_loop3A_152 : vector<16xf32>
      %parallel_loop3A_154 = arith.constant 1.000000e+00 : f32
      %parallel_loop3A_155 = vector.broadcast %parallel_loop3A_154 : f32 to vector<16xf32>
      %parallel_loop3A_156 = arith.addf %parallel_loop3A_155, %parallel_loop3A_153 : vector<16xf32>
      %parallel_loop3A_157 = arith.constant 1.000000e+00 : f32
      %parallel_loop3A_158 = vector.broadcast %parallel_loop3A_157 : f32 to vector<16xf32>
      %parallel_loop3A_159 = arith.divf %parallel_loop3A_158, %parallel_loop3A_156 : vector<16xf32>
      %parallel_loop3A_160 = arith.constant 16 : i32
      %parallel_loop3A_161 = arith.muli %parallel_loop3A_146, %parallel_loop3A_160 : i32
      %parallel_loop3A_162 = arith.index_cast %parallel_loop3A_161 : i32 to index
      %parallel_loop3A_163 = tpu.vector_load %arg6[%parallel_loop3A_162] {strides = array<i32>} : memref<4096xf32, #tpu.memory_space<vmem>>, vector<16xf32>,
      %parallel_loop3A_164 = vector.shape_cast %parallel_loop3A_163 : vector<16xf32> to vector<16xf32>
      %parallel_loop3A_165 = vector.shape_cast %parallel_loop3A_159 : vector<16xf32> to vector<16xf32>
      tpu.vector_store %arg6[%parallel_loop3A_162], %parallel_loop3A_165 {strides = array<i32>} : memref<4096xf32, #tpu.memory_space<vmem>>, vector<16xf32>,
    } {sc.loop_unroll_factor = 8 : i64, sc.parallel_access}
    "tpu.region"() ({
      %run_scoped3A = tpu.sem_alloc : memref<!tpu.dma_semaphore, #tpu.memory_space<semaphore_mem>>
      %dma_start3A = arith.constant 0 : i32
      %dma_start3A_146 = tpu.memref_slice %arg3[%add3A, %dma_start3A] : memref<32x4096xf32, #tpu.memory_space<hbm>> -> memref<1x4096xf32, #tpu.memory_space<hbm>>
      %dma_start3A_147 = tpu.memref_squeeze %dma_start3A_146 : memref<1x4096xf32, #tpu.memory_space<hbm>> -> memref<4096xf32, #tpu.memory_space<hbm>>
      %dma_start3A_148 = arith.constant 0 : i32
      %dma_start3A_149 = tpu.memref_slice %arg3[%add3A, %dma_start3A_148] : memref<32x4096xf32, #tpu.memory_space<hbm>> -> memref<1x4096xf32, #tpu.memory_space<hbm>>
      %dma_start3A_150 = tpu.memref_squeeze %dma_start3A_149 : memref<1x4096xf32, #tpu.memory_space<hbm>> -> memref<4096xf32, #tpu.memory_space<hbm>>
      tpu.enqueue_dma source(%arg6 : memref<4096xf32, #tpu.memory_space<vmem>>) target(%dma_start3A_150 : memref<4096xf32, #tpu.memory_space<hbm>>) target_semaphore(%run_scoped3A : memref<!tpu.dma_semaphore, #tpu.memory_space<semaphore_mem>>)
      %dma_wait3A = arith.constant 0 : i32
      %dma_wait3A_151 = tpu.memref_slice %arg3[%add3A, %dma_wait3A] : memref<32x4096xf32, #tpu.memory_space<hbm>> -> memref<1x4096xf32, #tpu.memory_space<hbm>>
      %dma_wait3A_152 = tpu.memref_squeeze %dma_wait3A_151 : memref<1x4096xf32, #tpu.memory_space<hbm>> -> memref<4096xf32, #tpu.memory_space<hbm>>
      %dma_wait3A_153 = arith.constant 0 : i32
      %dma_wait3A_154 = tpu.memref_slice %arg3[%add3A, %dma_wait3A_153] : memref<32x4096xf32, #tpu.memory_space<hbm>> -> memref<1x4096xf32, #tpu.memory_space<hbm>>
      %dma_wait3A_155 = tpu.memref_squeeze %dma_wait3A_154 : memref<1x4096xf32, #tpu.memory_space<hbm>> -> memref<4096xf32, #tpu.memory_space<hbm>>
      tpu.wait_dma2 semaphore(%run_scoped3A : memref<!tpu.dma_semaphore, #tpu.memory_space<semaphore_mem>>) src(%arg6 : memref<4096xf32, #tpu.memory_space<vmem>>) dst(%dma_wait3A_155 : memref<4096xf32, #tpu.memory_space<hbm>>)
      tpu.yield
    }) : () -> ()
    %barrier3A = arith.constant 0 : index
    tpu.barrier barrier_id(%barrier3A)
    %eq3A = arith.constant 0 : i32
    %eq3A_144 = arith.cmpi eq, %arg1, %eq3A : i32
    %convert_element_type3A = arith.extui %eq3A_144 : i1 to i32
    %cond3A = arith.constant 0 : i32
    %cond3A_145 = arith.cmpi ne, %convert_element_type3A, %cond3A : i32
    scf.if %cond3A_145 {
      "tpu.region"() ({
        %run_scoped3A = tpu.sem_alloc : memref<!tpu.dma_semaphore, #tpu.memory_space<semaphore_mem>>
        tpu.enqueue_dma source(%arg8 : memref<256xf32, #tpu.memory_space<vmem_shared>>) target(%arg9 : memref<256xf32, #tpu.memory_space<vmem>>) target_semaphore(%run_scoped3A : memref<!tpu.dma_semaphore, #tpu.memory_space<semaphore_mem>>)
        tpu.wait_dma2 semaphore(%run_scoped3A : memref<!tpu.dma_semaphore, #tpu.memory_space<semaphore_mem>>) src(%arg8 : memref<256xf32, #tpu.memory_space<vmem_shared>>) dst(%arg9 : memref<256xf32, #tpu.memory_space<vmem>>)
        tpu.yield
      }) : () -> ()
      %iota3A_146 = tpu.iota {dimensions = array<i32: 0>} : vector<16xi32>
      %broadcast_in_dim3A_147 = arith.constant 0.000000e+00 : f32
      %broadcast_in_dim3A_148 = vector.broadcast %broadcast_in_dim3A_147 : f32 to vector<16xf32>
      %get3A = arith.constant 0 : index
      %get3A_149 = tpu.vector_load %arg9[%get3A] {strides = array<i32>} : memref<256xf32, #tpu.memory_space<vmem>>, vector<16xf32>,
      %get3A_150 = vector.shape_cast %get3A_149 : vector<16xf32> to vector<16xf32>
      %eq3A_151 = arith.constant 0 : i32
      %eq3A_152 = vector.broadcast %eq3A_151 : i32 to vector<16xi32>
      %eq3A_153 = arith.cmpi eq, %iota3A_146, %eq3A_152 : vector<16xi32>
      %select_n3A_154 = arith.select %eq3A_153, %get3A_150, %broadcast_in_dim3A_148 : vector<16xi1>, vector<16xf32>
      %get3A_155 = arith.constant 16 : index
      %get3A_156 = tpu.vector_load %arg9[%get3A_155] {strides = array<i32>} : memref<256xf32, #tpu.memory_space<vmem>>, vector<16xf32>,
      %get3A_157 = vector.shape_cast %get3A_156 : vector<16xf32> to vector<16xf32>
      %eq3A_158 = arith.constant 1 : i32
      %eq3A_159 = vector.broadcast %eq3A_158 : i32 to vector<16xi32>
      %eq3A_160 = arith.cmpi eq, %iota3A_146, %eq3A_159 : vector<16xi32>
      %select_n3A_161 = arith.select %eq3A_160, %get3A_157, %select_n3A_154 : vector<16xi1>, vector<16xf32>
      %get3A_162 = arith.constant 32 : index
      %get3A_163 = tpu.vector_load %arg9[%get3A_162] {strides = array<i32>} : memref<256xf32, #tpu.memory_space<vmem>>, vector<16xf32>,
      %get3A_164 = vector.shape_cast %get3A_163 : vector<16xf32> to vector<16xf32>
      %eq3A_165 = arith.constant 2 : i32
      %eq3A_166 = vector.broadcast %eq3A_165 : i32 to vector<16xi32>
      %eq3A_167 = arith.cmpi eq, %iota3A_146, %eq3A_166 : vector<16xi32>
      %select_n3A_168 = arith.select %eq3A_167, %get3A_164, %select_n3A_161 : vector<16xi1>, vector<16xf32>
      %get3A_169 = arith.constant 48 : index
      %get3A_170 = tpu.vector_load %arg9[%get3A_169] {strides = array<i32>} : memref<256xf32, #tpu.memory_space<vmem>>, vector<16xf32>,
      %get3A_171 = vector.shape_cast %get3A_170 : vector<16xf32> to vector<16xf32>
      %eq3A_172 = arith.constant 3 : i32
      %eq3A_173 = vector.broadcast %eq3A_172 : i32 to vector<16xi32>
      %eq3A_174 = arith.cmpi eq, %iota3A_146, %eq3A_173 : vector<16xi32>
      %select_n3A_175 = arith.select %eq3A_174, %get3A_171, %select_n3A_168 : vector<16xi1>, vector<16xf32>
      %get3A_176 = arith.constant 64 : index
      %get3A_177 = tpu.vector_load %arg9[%get3A_176] {strides = array<i32>} : memref<256xf32, #tpu.memory_space<vmem>>, vector<16xf32>,
      %get3A_178 = vector.shape_cast %get3A_177 : vector<16xf32> to vector<16xf32>
      %eq3A_179 = arith.constant 4 : i32
      %eq3A_180 = vector.broadcast %eq3A_179 : i32 to vector<16xi32>
      %eq3A_181 = arith.cmpi eq, %iota3A_146, %eq3A_180 : vector<16xi32>
      %select_n3A_182 = arith.select %eq3A_181, %get3A_178, %select_n3A_175 : vector<16xi1>, vector<16xf32>
      %get3A_183 = arith.constant 80 : index
      %get3A_184 = tpu.vector_load %arg9[%get3A_183] {strides = array<i32>} : memref<256xf32, #tpu.memory_space<vmem>>, vector<16xf32>,
      %get3A_185 = vector.shape_cast %get3A_184 : vector<16xf32> to vector<16xf32>
      %eq3A_186 = arith.constant 5 : i32
      %eq3A_187 = vector.broadcast %eq3A_186 : i32 to vector<16xi32>
      %eq3A_188 = arith.cmpi eq, %iota3A_146, %eq3A_187 : vector<16xi32>
      %select_n3A_189 = arith.select %eq3A_188, %get3A_185, %select_n3A_182 : vector<16xi1>, vector<16xf32>
      %get3A_190 = arith.constant 96 : index
      %get3A_191 = tpu.vector_load %arg9[%get3A_190] {strides = array<i32>} : memref<256xf32, #tpu.memory_space<vmem>>, vector<16xf32>,
      %get3A_192 = vector.shape_cast %get3A_191 : vector<16xf32> to vector<16xf32>
      %eq3A_193 = arith.constant 6 : i32
      %eq3A_194 = vector.broadcast %eq3A_193 : i32 to vector<16xi32>
      %eq3A_195 = arith.cmpi eq, %iota3A_146, %eq3A_194 : vector<16xi32>
      %select_n3A_196 = arith.select %eq3A_195, %get3A_192, %select_n3A_189 : vector<16xi1>, vector<16xf32>
      %get3A_197 = arith.constant 112 : index
      %get3A_198 = tpu.vector_load %arg9[%get3A_197] {strides = array<i32>} : memref<256xf32, #tpu.memory_space<vmem>>, vector<16xf32>,
      %get3A_199 = vector.shape_cast %get3A_198 : vector<16xf32> to vector<16xf32>
      %eq3A_200 = arith.constant 7 : i32
      %eq3A_201 = vector.broadcast %eq3A_200 : i32 to vector<16xi32>
      %eq3A_202 = arith.cmpi eq, %iota3A_146, %eq3A_201 : vector<16xi32>
      %select_n3A_203 = arith.select %eq3A_202, %get3A_199, %select_n3A_196 : vector<16xi1>, vector<16xf32>
      %get3A_204 = arith.constant 128 : index
      %get3A_205 = tpu.vector_load %arg9[%get3A_204] {strides = array<i32>} : memref<256xf32, #tpu.memory_space<vmem>>, vector<16xf32>,
      %get3A_206 = vector.shape_cast %get3A_205 : vector<16xf32> to vector<16xf32>
      %eq3A_207 = arith.constant 8 : i32
      %eq3A_208 = vector.broadcast %eq3A_207 : i32 to vector<16xi32>
      %eq3A_209 = arith.cmpi eq, %iota3A_146, %eq3A_208 : vector<16xi32>
      %select_n3A_210 = arith.select %eq3A_209, %get3A_206, %select_n3A_203 : vector<16xi1>, vector<16xf32>
      %get3A_211 = arith.constant 144 : index
      %get3A_212 = tpu.vector_load %arg9[%get3A_211] {strides = array<i32>} : memref<256xf32, #tpu.memory_space<vmem>>, vector<16xf32>,
      %get3A_213 = vector.shape_cast %get3A_212 : vector<16xf32> to vector<16xf32>
      %eq3A_214 = arith.constant 9 : i32
      %eq3A_215 = vector.broadcast %eq3A_214 : i32 to vector<16xi32>
      %eq3A_216 = arith.cmpi eq, %iota3A_146, %eq3A_215 : vector<16xi32>
      %select_n3A_217 = arith.select %eq3A_216, %get3A_213, %select_n3A_210 : vector<16xi1>, vector<16xf32>
      %get3A_218 = arith.constant 160 : index
      %get3A_219 = tpu.vector_load %arg9[%get3A_218] {strides = array<i32>} : memref<256xf32, #tpu.memory_space<vmem>>, vector<16xf32>,
      %get3A_220 = vector.shape_cast %get3A_219 : vector<16xf32> to vector<16xf32>
      %eq3A_221 = arith.constant 10 : i32
      %eq3A_222 = vector.broadcast %eq3A_221 : i32 to vector<16xi32>
      %eq3A_223 = arith.cmpi eq, %iota3A_146, %eq3A_222 : vector<16xi32>
      %select_n3A_224 = arith.select %eq3A_223, %get3A_220, %select_n3A_217 : vector<16xi1>, vector<16xf32>
      %get3A_225 = arith.constant 176 : index
      %get3A_226 = tpu.vector_load %arg9[%get3A_225] {strides = array<i32>} : memref<256xf32, #tpu.memory_space<vmem>>, vector<16xf32>,
      %get3A_227 = vector.shape_cast %get3A_226 : vector<16xf32> to vector<16xf32>
      %eq3A_228 = arith.constant 11 : i32
      %eq3A_229 = vector.broadcast %eq3A_228 : i32 to vector<16xi32>
      %eq3A_230 = arith.cmpi eq, %iota3A_146, %eq3A_229 : vector<16xi32>
      %select_n3A_231 = arith.select %eq3A_230, %get3A_227, %select_n3A_224 : vector<16xi1>, vector<16xf32>
      %get3A_232 = arith.constant 192 : index
      %get3A_233 = tpu.vector_load %arg9[%get3A_232] {strides = array<i32>} : memref<256xf32, #tpu.memory_space<vmem>>, vector<16xf32>,
      %get3A_234 = vector.shape_cast %get3A_233 : vector<16xf32> to vector<16xf32>
      %eq3A_235 = arith.constant 12 : i32
      %eq3A_236 = vector.broadcast %eq3A_235 : i32 to vector<16xi32>
      %eq3A_237 = arith.cmpi eq, %iota3A_146, %eq3A_236 : vector<16xi32>
      %select_n3A_238 = arith.select %eq3A_237, %get3A_234, %select_n3A_231 : vector<16xi1>, vector<16xf32>
      %get3A_239 = arith.constant 208 : index
      %get3A_240 = tpu.vector_load %arg9[%get3A_239] {strides = array<i32>} : memref<256xf32, #tpu.memory_space<vmem>>, vector<16xf32>,
      %get3A_241 = vector.shape_cast %get3A_240 : vector<16xf32> to vector<16xf32>
      %eq3A_242 = arith.constant 13 : i32
      %eq3A_243 = vector.broadcast %eq3A_242 : i32 to vector<16xi32>
      %eq3A_244 = arith.cmpi eq, %iota3A_146, %eq3A_243 : vector<16xi32>
      %select_n3A_245 = arith.select %eq3A_244, %get3A_241, %select_n3A_238 : vector<16xi1>, vector<16xf32>
      %get3A_246 = arith.constant 224 : index
      %get3A_247 = tpu.vector_load %arg9[%get3A_246] {strides = array<i32>} : memref<256xf32, #tpu.memory_space<vmem>>, vector<16xf32>,
      %get3A_248 = vector.shape_cast %get3A_247 : vector<16xf32> to vector<16xf32>
      %eq3A_249 = arith.constant 14 : i32
      %eq3A_250 = vector.broadcast %eq3A_249 : i32 to vector<16xi32>
      %eq3A_251 = arith.cmpi eq, %iota3A_146, %eq3A_250 : vector<16xi32>
      %select_n3A_252 = arith.select %eq3A_251, %get3A_248, %select_n3A_245 : vector<16xi1>, vector<16xf32>
      %get3A_253 = arith.constant 240 : index
      %get3A_254 = tpu.vector_load %arg9[%get3A_253] {strides = array<i32>} : memref<256xf32, #tpu.memory_space<vmem>>, vector<16xf32>,
      %get3A_255 = vector.shape_cast %get3A_254 : vector<16xf32> to vector<16xf32>
      %eq3A_256 = arith.constant 15 : i32
      %eq3A_257 = vector.broadcast %eq3A_256 : i32 to vector<16xi32>
      %eq3A_258 = arith.cmpi eq, %iota3A_146, %eq3A_257 : vector<16xi32>
      %select_n3A_259 = arith.select %eq3A_258, %get3A_255, %select_n3A_252 : vector<16xi1>, vector<16xf32>
      %swap3A_260 = arith.constant 0 : index
      %swap3A_261 = tpu.vector_load %arg7[%swap3A_260] {strides = array<i32>} : memref<16xf32, #tpu.memory_space<vmem>>, vector<16xf32>,
      %swap3A_262 = vector.shape_cast %swap3A_261 : vector<16xf32> to vector<16xf32>
      %swap3A_263 = vector.shape_cast %select_n3A_259 : vector<16xf32> to vector<16xf32>
      tpu.vector_store %arg7[%swap3A_260], %swap3A_263 {strides = array<i32>} : memref<16xf32, #tpu.memory_space<vmem>>, vector<16xf32>,
      %mul3A_264 = arith.constant 16 : i32
      %mul3A_265 = arith.muli %arg0, %mul3A_264 : i32
      "tpu.region"() ({
        %run_scoped3A = tpu.sem_alloc : memref<!tpu.dma_semaphore, #tpu.memory_space<semaphore_mem>>
        %dma_start3A = tpu.memref_slice %arg4[%mul3A_265] : memref<32xf32, #tpu.memory_space<hbm>> -> memref<16xf32, #tpu.memory_space<hbm>>
        %dma_start3A_266 = tpu.memref_slice %arg4[%mul3A_265] : memref<32xf32, #tpu.memory_space<hbm>> -> memref<16xf32, #tpu.memory_space<hbm>>
        tpu.enqueue_dma source(%arg7 : memref<16xf32, #tpu.memory_space<vmem>>) target(%dma_start3A_266 : memref<16xf32, #tpu.memory_space<hbm>>) target_semaphore(%run_scoped3A : memref<!tpu.dma_semaphore, #tpu.memory_space<semaphore_mem>>)
        %dma_wait3A = tpu.memref_slice %arg4[%mul3A_265] : memref<32xf32, #tpu.memory_space<hbm>> -> memref<16xf32, #tpu.memory_space<hbm>>
        %dma_wait3A_267 = tpu.memref_slice %arg4[%mul3A_265] : memref<32xf32, #tpu.memory_space<hbm>> -> memref<16xf32, #tpu.memory_space<hbm>>
        tpu.wait_dma2 semaphore(%run_scoped3A : memref<!tpu.dma_semaphore, #tpu.memory_space<semaphore_mem>>) src(%arg7 : memref<16xf32, #tpu.memory_space<vmem>>) dst(%dma_wait3A_267 : memref<16xf32, #tpu.memory_space<hbm>>)
        tpu.yield
      }) : () -> ()
    } else {
    }
    return
  }
}

</mosaic_0001>

<sc_bundles>
// kernel: _lml_sc.3.cloned.1.call-start
scs
__scs_entry_jumppad:
0x0: {  	(pc) =	sbr.rel $0x88, $3  }
0x1: {  	(tag) =	ssettag $0x0;
	lr =	simm.s32 $0x1  }
0x2: {  	[smem:$0x3FA0] =	sst lr;
	_ =	strace $0xD0000000  }
0x3: {  	_ = 	snop  }
0x4: {  	_ = 	snop  }
0x5: {  	_ = 	snop  }
0x6: {  	_ = 	snop  }
0x7: {  	_ = 	snop  }
__scs_overlays_trampoline_lowered:
0x8: {  	[smem:$0x3FAF] =	sst s0  }
0x9: {  	[smem:$0x3FB0] =	sst s1  }
0xa: {  	[smem:$0x3FB1] =	sst s2  }
0xb: {  	[smem:$0x3FB2] =	sst s3  }
0xc: {  	[smem:$0x3FB3] =	sst s4  }
0xd: {  	[smem:$0x3FB4] =	sst s5  }
0xe: {  	[smem:$0x3FB5] =	sst s6  }
0xf: {  	[smem:$0x3FB6] =	sst s7  }
0x10: {  	[smem:$0x3FB7] =	sst s8  }
0x11: {  	[smem:$0x3FB8] =	sst s9;
	s0 =	simm.s32 @!p0 $0x0  }
0x12: {  	s1 =	sld [smem:$0x3F9E];
	s0 =	simm.s32 @p0 $0x1  }
0x13: {  	[smem:$0x3FB9] =	sst s0;
	s0 =	simm.s32 @!p1 $0x0  }
0x14: {  	s2 =	sld [smem:$0x3F9D];
	s0 =	simm.s32 @p1 $0x1  }
0x15: {  	[smem:$0x3FBA] =	sst s0;
	s0 =	simm.s32 @!p2 $0x0  }
0x16: {  	s3 =	sld [smem:$0x3FDB];
	s0 =	simm.s32 @p2 $0x1  }
0x17: {  	s4 =	simm.s32 $0x1BF5;
	[smem:$0x3FBC] =	sst s0  }
0x18: {  	s0 =	sld [smem:$0x3F9F];
	_ =	swait.ge [sflag:s4], $0x0  }
0x19: {  	s7 =	sld [smem:$0x3FA0]  }
0x1a: {  	s8 =	sadd.s32 $0xFFFFE003, lr  }
0x1b: {  	s9 =	sadd.s32 $0xFFFFFEF7, lr;
	s5 =	simm.s32 $0xFFFFFFFF;
	p2 =	slt.u32 s8, $0xFFFFF086  }
0x1c: {  	p1 =	slt.u32 s9, $0xF7A;
	s5 =	simm.s32 @!p2 $0x0  }
0x1d: {  	s5 =	simm.s32 @p1 $0x1;
	p0 =	seq.s32 s7, s2  }
0x1e: {  	s7 =	smul.u32 @!p0 $0xF7A, s2;
	p2 =	seq.s32 @!p0 s5, $0x0  }
0x1f: {  	s9 =	smul.u32 $0xF7A, s1;
	s8 =	simm.s32 @!p0 $0x1BF5;
	p2 =	por !p2, p0  }
0x20: {  	[sflag:s8] =	ssyncset.s32 @!p0 $0xFFFFF086;
	s6 =	sadd.s32 @!p0 s3, s7;
	s7 =	simm.s32 @!p0 $0x108  }
0x21: {  	s3 =	sadd.s32 s3, s9;
	s6 =	sadd.s32 @!p0 $0x88, s6;
	s7 =	simm.s32 @p2 $0x1082  }
0x22: {  	[simem:s7], [sflag:s8] =	dma.local @!p0 [hbm:s6], $0xF7A  }
0x23: {  	s9 =	sor.u32 $0xD0000000, s2;
	s6 =	simm.s32 $0x108;
	_ =	swait.ge @!p0 [sflag:s8], $0x0  }
0x24: {  	s3 =	sadd.s32 $0x88, s3;
	s6 =	simm.s32 @!p1 $0x1082;
	[sflag:s4] =	ssyncset.s32 $0xFFFFF086  }
0x25: {  	[simem:s6], [sflag:s4] =	dma.local [hbm:s3], $0xF7A  }
0x26: {  	[smem:$0x3FA0] =	sst s1;
	(tag) =	ssettag s2;
	_ =	strace s9  }
0x27: {  	s1 =	sld [smem:$0x3FB0]  }
0x28: {  	s2 =	sld [smem:$0x3FB1]  }
0x29: {  	s4 =	sld [smem:$0x3FB3]  }
0x2a: {  	p0 =	seq.s32 s5, $0x0;
	s5 =	sld [smem:$0x3FB4]  }
0x2b: {  	s6 =	sld [smem:$0x3FB5]  }
0x2c: {  	s7 =	sld [smem:$0x3FB6]  }
0x2d: {  	s3 =	simm.s32 $0x108;
	s8 =	sld [smem:$0x3FB7]  }
0x2e: {  	s3 =	simm.s32 @!p0 $0x1082;
	s9 =	sld [smem:$0x3FB8]  }
0x2f: {  	lr =	sadd.s32 s0, s3;
	s0 =	sld [smem:$0x3FAF]  }
0x30: {  	s3 =	sld [smem:$0x3FB2]  }
0x31: {  	[smem:$0x3FBB] =	sst s10  }
0x32: {  	s10 =	sld [smem:$0x3FB9];
	_ =	sdelay $0x3  }
0x33: {  	p0 =	seq.s32 s10, $0x1;
	s10 =	sld [smem:$0x3FBB];
	_ =	sdelay $0x3  }
0x34: {  	[smem:$0x3FBB] =	sst s10  }
0x35: {  	s10 =	sld [smem:$0x3FBA];
	_ =	sdelay $0x3  }
0x36: {  	p1 =	seq.s32 s10, $0x1;
	s10 =	sld [smem:$0x3FBB];
	_ =	sdelay $0x3  }
0x37: {  	[smem:$0x3FBB] =	sst s10  }
0x38: {  	s10 =	sld [smem:$0x3FBC]  }
0x39: {  	_ = 	snop;
	(pc) =	sbr.ind lr, $3  }
0x3a: {  	_ = 	snop  }
0x3b: {  	_ = 	snop  }
0x3c: {  	p2 =	seq.s32 s10, $0x1;
	s10 =	sld [smem:$0x3FBB]  }
0x3d: {  	_ =	shalt  }
0x3e: {  	_ =	shalt  }
0x3f: {  	_ =	shalt  }
0x40: {  	_ =	shalt  }
0x41: {  	_ =	shalt  }
0x42: {  	_ =	shalt  }
0x43: {  	_ =	shalt  }
0x44: {  	_ =	shalt  }
0x45: {  	_ =	shalt  }
0x46: {  	_ =	shalt  }
0x47: {  	_ =	shalt  }
0x48: {  	_ =	shalt  }
0x49: {  	_ =	shalt  }
0x4a: {  	_ =	shalt  }
0x4b: {  	_ =	shalt  }
0x4c: {  	_ =	shalt  }
0x4d: {  	_ =	shalt  }
0x4e: {  	_ =	shalt  }
0x4f: {  	_ =	shalt  }
0x50: {  	_ =	shalt  }
0x51: {  	_ =	shalt  }
0x52: {  	_ =	shalt  }
0x53: {  	_ =	shalt  }
0x54: {  	_ =	shalt  }
0x55: {  	_ =	shalt  }
0x56: {  	_ =	shalt  }
0x57: {  	_ =	shalt  }
0x58: {  	_ =	shalt  }
0x59: {  	_ =	shalt  }
0x5a: {  	_ =	shalt  }
0x5b: {  	_ =	shalt  }
0x5c: {  	_ =	shalt  }
0x5d: {  	_ =	shalt  }
0x5e: {  	_ =	shalt  }
0x5f: {  	_ =	shalt  }
0x60: {  	_ =	shalt  }
0x61: {  	_ =	shalt  }
0x62: {  	_ =	shalt  }
0x63: {  	_ =	shalt  }
0x64: {  	_ =	shalt  }
0x65: {  	_ =	shalt  }
0x66: {  	_ =	shalt  }
0x67: {  	_ =	shalt  }
0x68: {  	_ =	shalt  }
0x69: {  	_ =	shalt  }
0x6a: {  	_ =	shalt  }
0x6b: {  	_ =	shalt  }
0x6c: {  	_ =	shalt  }
0x6d: {  	_ =	shalt  }
0x6e: {  	_ =	shalt  }
0x6f: {  	_ =	shalt  }
0x70: {  	_ =	shalt  }
0x71: {  	_ =	shalt  }
0x72: {  	_ =	shalt  }
0x73: {  	_ =	shalt  }
0x74: {  	_ =	shalt  }
0x75: {  	_ =	shalt  }
0x76: {  	_ =	shalt  }
0x77: {  	_ =	shalt  }
0x78: {  	_ =	shalt  }
0x79: {  	_ =	shalt  }
0x7a: {  	_ =	shalt  }
0x7b: {  	_ =	shalt  }
0x7c: {  	_ =	shalt  }
0x7d: {  	_ =	shalt  }
0x7e: {  	_ =	shalt  }
0x7f: {  	_ =	shalt  }
0x80: {  	_ =	shalt  }
0x81: {  	_ =	shalt  }
0x82: {  	_ =	shalt  }
0x83: {  	_ =	shalt  }
0x84: {  	_ =	shalt  }
0x85: {  	_ =	shalt  }
0x86: {  	_ =	shalt  }
0x87: {  	_ =	shalt  }
.Lfunc_end0:
.L_simem_size_0:
called_computation_lowered:
.L_overlay_start_0:
0x88: {  	s2 =	sld [smem:$0x3FD9]  }
0x89: {  	s3 =	sld [smem:$0x3FFE];
	_ =	sdelay $0x1  }
0x8a: {  	s1 =	srdreg.scid  }
0x8b: {  	s0 =	sand.u32 $0x1, s1  }
0x8c: {  	s15 =	sshll.u32 s0, $0xA;
	s2 =	sadd.s32 s3, s2  }
0x8d: {  	s2 =	sadd.s32 s2, s15  }
0x8e: {  	[smem:$0x3FC7] =	sst s2  }
0x8f: {  	_ = 	snop  }
0x90: {  	s2 =	sld [smem:$0x3FD0];
	_ =	sdelay $0x2  }
0x91: {  	s4 =	simm.s32 $0xA;
	s5 =	simm.s32 $0x10;
	s16 =	sld [smem:$0x3FC9]  }
0x92: {  	[smem:s5], [sflag:s4] =	dma.local [hbm:s2], $0x1  }
0x93: {  	_ =	swait.eq [sflag:s4], $0x1  }
0x94: {  	[sflag:s4] =	ssyncset.done $0x0  }
0x95: {  	s17 =	sld [smem:$0x10];
	[sflag:s4] =	ssyncadd.s32 $0xFFFFFFFF  }
0x96: {  	s18 =	sld [smem:$0x11];
	(tm) =	ssettm $0x1  }
0x97: {  	s19 =	sld [smem:$0x3FFB];
	_ =	sdelay $0x3  }
0x98: {  	_ =	strace s19  }
0x99: {  	s5 =	sld [smem:$0x3FFC];
	_ =	sdelay $0x3  }
0x9a: {  	_ =	strace s5  }
0x9b: {  	s5 =	sld [smem:$0x3FFD];
	_ =	sdelay $0x3  }
0x9c: {  	_ =	strace s5  }
0x9d: {  	_ =	strace $0x8FFFFFFF  }
0x9e: {  	s20 =	sld [smem:$0x3FDB];
	_ =	sdelay $0x1  }
0x9f: {  	s6 =	simm.s32 $_scs_section_size  }
0xa0: {  	s7 =	simm.s32 $_size__tile_overlayer_lowered;
	s8 =	simm.s32 $_tile_overlayer_lowered  }
0xa1: {  	s23 =	simm.s32 $0x1BFF;
	s22 =	sshll.u32 s8, $0x1;
	s5 =	sadd.s32 s6, s20  }
0xa2: {  	s9 =	simm.s32 $0x0;
	s21 =	sshll.u32 s7, $0x1;
	s7 =	sadd.s32 s22, s5  }
0xa3: {  	[timem:s9], [sflag:s23] =	dma.local [hbm:s7], s21  }
0xa4: {  	_ =	swait.ge [sflag:s23], s21  }
0xa5: {  	s6 =	ssub.s32 $0x0, s21;
	[sflag:s23] =	ssyncset.done $0x0  }
0xa6: {  	[sflag:s23] =	ssyncadd.s32 s6;
	_ =	sdelay $0x1  }
0xa7: {  	s24 =	simm.s32 $0x1B8B  }
0xa8: {  	_ =	swait.ge [sflag:s24], $0x1  }
0xa9: {  	[sflag:s24] =	ssyncset.done $0x0  }
0xaa: {  	s25 =	simm.s32 $0x1B8E;
	[sflag:s24] =	ssyncadd.s32 $0xFFFFFFFF  }
0xab: {  	s26 =	simm.s32 $execute0_lowered;
	[smem:$0x3FD2] =	sst s25  }
0xac: {  	s6 =	sshll.u32 s26, $0x1;
	_ =	strace $0x80000046;
	[dreg:$0x1] =	wrdreg $0xFFFFFFFF  }
0xad: {  	s28 =	simm.s32 $_size_execute0_lowered;
	s5 =	sadd.s32 s5, s6;
	[dreg:$0x0] =	wrdreg $0x0  }
0xae: {  	s6 =	sshll.u32 s28, $0x1;
	[dreg:$0x2] =	wrdreg s5  }
0xaf: {  	[dreg:$0x3] =	wrdreg s6  }
0xb0: {  	[dreg:$0x4] =	wrdreg $0xC0  }
0xb1: {  	_ =	task [dreg:s9], $0x5FFFF  }
0xb2: {  	[dreg:$0x1] =	wrdreg $0xFFFFFFFF  }
0xb3: {  	[dreg:$0x0] =	wrdreg $0x60  }
0xb4: {  	[dreg:$0x2] =	wrdreg s16  }
0xb5: {  	[dreg:$0x3] =	wrdreg s17  }
0xb6: {  	[dreg:$0x4] =	wrdreg s18  }
0xb7: {  	[dreg:$0x5] =	wrdreg $0x20800  }
0xb8: {  	[dreg:$0x6] =	wrdreg $0x9  }
0xb9: {  	_ =	task.clear_ibuf [dreg:s9], $0x7FFFF;
	_ =	strace $0x90000046  }
0xba: {  	s29 =	simm.s32 $0x9;
	_ =	strace $0x80000048  }
0xbb: {  	_ =	swait.ge [sflag:s29], $0x1  }
0xbc: {  	[sflag:s29] =	ssyncadd.s32 $0xFFFFFFFF  }
0xbd: {  	_ =	strace $0x90000048  }
0xbe: {  	_ =	sfence  }
0xbf: {  	s30 =	sld [smem:$0x0];
	_ =	sdelay $0x2  }
0xc0: {  	s31 =	sshll.u32 s1, $0xD;
	s1 =	sshrl.u32 s1, $0x2  }
0xc1: {  	s3 =	sand.u32 $0x4000, s31;
	s1 =	sadd.s32 s1, s30  }
0xc2: {  	s0 =	sor.u32 s3, s0;
	s1 =	sshll.u32 s1, $0x11  }
0xc3: {  	s0 =	sor.u32 s1, s0  }
0xc4: {  	s0 =	sadd.s32 $0x8F2B, s0  }
0xc5: {  	[sflag:s0] =	ssyncadd.remote.s32 $0x1  }
0xc6: {  	_ =	sfence.sel $0xFFFF  }
0xc7: {  	[dreg:$0x0] =	wrdreg $0xFFFFFFFF;
	(pc) =	sbr.abs _section_cstart, $3  }
0xc8: {  	[dreg:$0x1] =	wrdreg $0xFFFFFFFF  }
0xc9: {  	_ =	task.clear_ibuf [dreg:s9], $0x2FFFF;
	_ =	strace $0x9FFFFFFF  }
0xca: {  	(tm) =	ssettm $0x7FFFFFFF  }
0xcb: {  	_ =	shalt  }
tec
execute0_lowered:
.L_overlay_start_1:
0x0: {  	(tag) =	ssettag $0x1  }
0x1: {  	v0 =	vimm.s32 $0xFEDCBA98  }
0x2: {  	v1 =	vimm.s32 $0x76543210;
	v2 =	vimm.s32 $0xBA98FEDC;
	v3 =	vimm.s32 $0x32107654  }
0x3: {  	v4 =	vimm.s32 $0xDCFE98BA;
	v5 =	vimm.s32 $0x54761032;
	v6 =	vimm.s32 $0xEFCDAB89  }
0x4: {  	v7 =	vimm.s32 $0x67452301;
	v0 =	vunpack.c.l.s4.s8 v0;
	v1 =	vunpack.c.l.s4.s8 v1  }
0x5: {  	s3 =	rddreg [dreg:$0x0];
	s4 =	stileid.u32;
	v2 =	vunpack.c.l.s4.s8 v2;
	v3 =	vunpack.c.l.s4.s8 v3;
	v4 =	vunpack.c.l.s4.s8 v4  }
0x6: {  	s5 =	rddreg [dreg:$0x1];
	v5 =	vunpack.c.l.s4.s8 v5;
	v6 =	vunpack.c.l.s4.s8 v6;
	v7 =	vunpack.c.l.s4.s8 v7;
	p0 =	sne.s32 s4, $0x0  }
0x7: {  	s6 =	rddreg [dreg:$0x2];
	vm0 =	vmmov @!p0 $0x1;
	vm1 =	vmmov @!p0 $0x3;
	vm2 =	vmmov @!p0 $0x7  }
0x8: {  	s1 =	rddreg [dreg:$0x3];
	s2 =	srdreg.scid;
	vm3 =	vmmov @!p0 $0xf;
	vm4 =	vmmov @!p0 $0x1f;
	vm5 =	vmmov @!p0 $0x3f  }
0x9: {  	s0 =	rddreg [dreg:$0x4];
	s13 =	simm.s32 $0x0;
	s7 =	sand.u32 $0x1, s2;
	vm6 =	vmmov @!p0 $0x7f;
	vm7 =	vmmov @!p0 $0xff;
	v0 =	vunpack.c.0.s8.s32 v0  }
0xa: {  	s2 =	simm.s32 $0x0;
	s10 =	sshll.u32 s4, $0x9;
	s12 =	sshll.u32 s4, $0x4;
	v2 =	vunpack.c.0.s8.s32 v2;
	v3 =	vunpack.c.0.s8.s32 v3;
	v4 =	vunpack.c.0.s8.s32 v4  }
0xb: {  	s8 =	ssub.s32 $0x2, s7;
	[smem:$0x7FF] =	sst s2;
	s11 =	sshll.u32 s7, $0xD;
	v5 =	vunpack.c.0.s8.s32 v5;
	v6 =	vunpack.c.0.s8.s32 v6;
	v7 =	vunpack.c.0.s8.s32 v7  }
0xc: {  	s10 =	sand.u32 $0x1000, s10;
	s30 =	sand.u32 $0x70, s12;
	s4 =	sadd.s32 s12, s1;
	vm8 =	vmmov @!p0 $0x1ff;
	v1 =	vunpack.c.0.s8.s32 v1;
	v2 =	vcombine.low v3, v2  }
0xd: {  	s7 =	sshll.u32 s7, $0x1;
	s12 =	simm.s32 $0x1000;
	s9 =	sshrl.u32 s8, $0x1;
	v3 =	vcombine.low v5, v4;
	v4 =	vcombine.low v7, v6;
	v0 =	vand.u32 $0xF, v0  }
0xe: {  	vm9 =	vmmov @!p0 $0x3ff;
	s10 =	sor.u32 s11, s10;
	_ =	strace $0x80000047;
	s6 =	sadd.s32 s6, s7;
	v0 =	vcombine.low v0, v1;
	v1 =	vand.u32 $0xF, v2  }
0xf: {  	s11 =	simm.s32 $0x2000;
	s8 =	ssub.s32 s8, s9;
	s31 =	sor.u32 s30, s10;
	v2 =	vand.u32 $0xF, v3;
	v3 =	vand.u32 $0xF, v4;
	v4 =	vimm.s32 $0x0  }
0x10: {  	vm10 =	vmmov @!p0 $0x7ff;
	vm11 =	vmmov @!p0 $0xfff;
	s9 =	simm.s32 $0x400;
	s10 =	simm.s32 $0x1;
	s3 =	sadd.s32 s3, s31;
	v4 =	vsel vm0, $0xFFFFFFFF, v4  }
0x11: {  	vm12 =	vmmov @!p0 $0x1fff;
	vm13 =	vmmov @!p0 $0x3fff;
	vm14 =	vmmov @!p0 $0x7fff;
	s5 =	sadd.s32 s5, s31;
	s7 =	smax.u32 s8, $0x1;
	s8 =	simm.s32 $0x80;
	[tilespmem:$0x1FFF0] =	vst v4  }
.LBB2_1:
0x12: {  	[tilespmem:s2], [sflag:$0x1] =	stream.strided.gather [hbm4b:s3+s8], $0x1000, s9, s8, $0x38;
	[tilespmem:$0x2190] =	vst v63  }
0x13: {  	_ =	swait.ge [sflag:s10], $0x1000  }
0x14: {  	[sflag:s10] =	ssyncset.done $0x0  }
0x15: {  	s14 =	simm.s32 $0x40;
	[sflag:s10] =	ssyncadd.s32 $0xFFFFF000  }
0x16: {  	v4 =	vld [tilespmem:s14+$0xFFFFFFC0]  }
0x17: {  	v7 =	vld [tilespmem:s14+$0xFFFFFFD0]  }
0x18: {  	v10 =	vld [tilespmem:s14+$0xFFFFFFE0]  }
0x19: {  	v9 =	vld [tilespmem:s14+$0xFFFFFFF0]  }
0x1a: {  	v5 =	vld [tilespmem:s14+$0x0]  }
0x1b: {  	v6 =	vld [tilespmem:s14+$0x10];
	v12 =	vsub.f32 $0.0e+00, v4  }
0x1c: {  	v11 =	vimm.f32 $3.000000010e+38;
	v13 =	vimm.f32 $-3.000000010e+38;
	v8 =	vld [tilespmem:s14+$0x20];
	v4 =	vsub.f32 $0.0e+00, v7  }
0x1d: {  	s15 =	simm.s32 $0x0;
	s16 =	simm.s32 $0xC0;
	v7 =	vsub.f32 $0.0e+00, v10;
	v10 =	vld [tilespmem:s14+$0x30];
	[tilespmem:s14+$0xFFFFFFC0] =	vst v12;
	v11 =	vmin.f32 v11, v12;
	v12 =	vmax.f32 v13, v12  }
.LBB2_2:
0x1e: {  	v13 =	vld [tilespmem:s16+$0xFFFFFFC0];
	s15 =	sadd.s32 $0x8, s15;
	[tilespmem:s14+$0xFFFFFFD0] =	vst v4;
	v11 =	vmin.f32 v11, v4;
	v4 =	vmax.f32 v12, v4;
	v9 =	vsub.f32 $0.0e+00, v9  }
0x1f: {  	v12 =	vld [tilespmem:s16+$0xFFFFFFD0];
	p1 =	slt.u32 s15, $0xF8;
	[tilespmem:s14+$0xFFFFFFE0] =	vst v7;
	v11 =	vmin.f32 v11, v7;
	v4 =	vmax.f32 v4, v7;
	v5 =	vsub.f32 $0.0e+00, v5  }
0x20: {  	v7 =	vld [tilespmem:s16+$0xFFFFFFE0];
	[tilespmem:s14+$0xFFFFFFF0] =	vst v9;
	v11 =	vmin.f32 v11, v9;
	v4 =	vmax.f32 v4, v9;
	v6 =	vsub.f32 $0.0e+00, v6  }
.Ltmp0:
0x21: {  	v9 =	vld [tilespmem:s16+$0xFFFFFFF0];
	[tilespmem:s14+$0x0] =	vst v5;
	v11 =	vmin.f32 v11, v5;
	v4 =	vmax.f32 v4, v5;
	v8 =	vsub.f32 $0.0e+00, v8;
	(pc) =	sbr.rel @p1 .LBB2_2-.Ltmp0, $4  }
0x22: {  	v5 =	vld [tilespmem:s16+$0x0];
	[tilespmem:s14+$0x10] =	vst v6;
	v11 =	vmin.f32 v11, v6;
	v4 =	vmax.f32 v4, v6;
	v10 =	vsub.f32 $0.0e+00, v10  }
0x23: {  	v13 =	vsub.f32 $0.0e+00, v13;
	v6 =	vld [tilespmem:s16+$0x10];
	[tilespmem:s14+$0x20] =	vst v8;
	v11 =	vmin.f32 v11, v8;
	v14 =	vmax.f32 v4, v8  }
0x24: {  	v4 =	vsub.f32 $0.0e+00, v12;
	v8 =	vld [tilespmem:s16+$0x20];
	[tilespmem:s14+$0x30] =	vst v10;
	v11 =	vmin.f32 v11, v10;
	v10 =	vmax.f32 v14, v10;
	s14 =	smov.u32 s16  }
0x25: {  	s16 =	sadd.s32 $0x80, s16;
	[tilespmem:s14+$0xFFFFFFC0] =	vst v13;
	v11 =	vmin.f32 v11, v13;
	v12 =	vmax.f32 v10, v13;
	v7 =	vsub.f32 $0.0e+00, v7;
	v10 =	vld [tilespmem:s14+$0x30]  }
0x26: {  	v11 =	vmin.f32 v11, v4;
	v12 =	vmax.f32 v12, v4;
	v9 =	vsub.f32 $0.0e+00, v9  }
0x27: {  	v11 =	vmin.f32 v11, v7;
	v12 =	vmax.f32 v12, v7;
	v13 =	vsub.f32 $0.0e+00, v5  }
0x28: {  	v5 =	vmin.f32 v11, v9;
	v11 =	vmax.f32 v12, v9;
	v63 =	vsub.f32 $0.0e+00, v6  }
0x29: {  	v5 =	vmin.f32 v5, v13;
	v6 =	vmax.f32 v11, v13;
	v8 =	vsub.f32 $0.0e+00, v8  }
0x2a: {  	v5 =	vmin.f32 v5, v63;
	v6 =	vmax.f32 v6, v63;
	v11 =	vsub.f32 $0.0e+00, v10  }
0x2b: {  	v5 =	vmin.f32 v5, v8;
	v6 =	vmax.f32 v6, v8  }
0x2c: {  	v5 =	vmin.f32 v5, v11;
	v6 =	vmax.f32 v6, v11  }
0x2d: {  	v10 =	vperm.xlane v5, v0;
	v14 =	vperm.xlane v6, v0;
	_ =	sdelay $0x1  }
0x2e: {  	v5 =	vmin.f32 v5, v10;
	v6 =	vmax.f32 v6, v14  }
0x2f: {  	v10 =	vperm.xlane v5, v1;
	v14 =	vperm.xlane v6, v1;
	_ =	sdelay $0x1  }
0x30: {  	v5 =	vmin.f32 v5, v10;
	v6 =	vmax.f32 v6, v14  }
0x31: {  	v10 =	vperm.xlane v5, v2;
	v14 =	vperm.xlane v6, v2;
	_ =	sdelay $0x1  }
0x32: {  	v5 =	vmin.f32 v5, v10;
	v6 =	vmax.f32 v6, v14  }
0x33: {  	v10 =	vperm.xlane v5, v3;
	v14 =	vperm.xlane v6, v3;
	_ =	sdelay $0x1  }
0x34: {  	v5 =	vmin.f32 v5, v10;
	v6 =	vmax.f32 v6, v14  }
0x35: {  	[tilespmem:s14+$0xFFFFFFD0] =	vst v4;
	v5 =	vadd.f32 $-7.000000000e+00, v5;
	v6 =	vadd.f32 $7.000000000e+00, v6  }
0x36: {  	[tilespmem:s14+$0xFFFFFFE0] =	vst v7  }
0x37: {  	[tilespmem:s14+$0xFFFFFFF0] =	vst v9;
	v4 =	vadd.f32 v6, v5  }
0x38: {  	[tilespmem:s14+$0x0] =	vst v13  }
0x39: {  	[tilespmem:s14+$0x10] =	vst v63;
	v10 =	vsub.f32 v6, v5;
	v4 =	vmul.f32 $5.000000000e-01, v4  }
0x3a: {  	[tilespmem:s14+$0x20] =	vst v8  }
0x3b: {  	v7 =	vimm.f32 $+Inf;
	[tilespmem:s14+$0x30] =	vst v11;
	s14 =	simm.s32 $0x0;
	v8 =	vmov v10;
	v9 =	vmov v4  }
.LBB2_4:
0x3c: {  	s15 =	simm.s32 $0x80  }
0x3d: {  	v12 =	vld [tilespmem:s15+$0xFFFFFF80]  }
0x3e: {  	v13 =	vld [tilespmem:s15+$0x30]  }
0x3f: {  	v15 =	vld [tilespmem:s15+$0xFFFFFFD0]  }
0x40: {  	v14 =	vld [tilespmem:s15+$0xFFFFFFF0]  }
0x41: {  	v11 =	vsub.f32 $0.0e+00, v9;
	v16 =	vld [tilespmem:s15+$0x70]  }
0x42: {  	v17 =	vld [tilespmem:s15+$0xFFFFFFB0]  }
0x43: {  	v18 =	vld [tilespmem:s15+$0xFFFFFFA0];
	v12 =	vadd.f32 v12, v11  }
0x44: {  	v13 =	vadd.f32 v13, v11;
	v15 =	vadd.f32 v15, v11  }
0x45: {  	v19 =	vld [tilespmem:s15+$0x20];
	v14 =	vadd.f32 v14, v11;
	v12 =	vmul.f32 $1.442695020e+00, v12  }
0x46: {  	v20 =	vld [tilespmem:s15+$0xFFFFFFC0];
	v13 =	vmul.f32 $1.442695020e+00, v13;
	v15 =	vmul.f32 $1.442695020e+00, v15  }
0x47: {  	v21 =	vld [tilespmem:s15+$0xFFFFFFE0];
	v16 =	vadd.f32 v16, v11;
	(erf) = vpow2.f32 v12;
	v12 =	vmul.f32 $1.442695020e+00, v14  }
0x48: {  	v14 =	vadd.f32 v17, v11;
	v17 =	vadd.f32 v18, v11;
	v18 =	vld [tilespmem:s15+$0x50];
	(erf) = vpow2.f32 v13  }
0x49: {  	v13 =	vmul.f32 $1.442695020e+00, v16;
	v16 =	vld [tilespmem:s15+$0x0];
	(erf) = vpow2.f32 v12  }
0x4a: {  	v12 =	vadd.f32 v19, v11;
	v14 =	vmul.f32 $1.442695020e+00, v14;
	(erf) = vpow2.f32 v15;
	v15 =	vld [tilespmem:s15+$0xFFFFFF90]  }
0x4b: {  	v19 =	vadd.f32 v20, v11;
	v17 =	vmul.f32 $1.442695020e+00, v17;
	(erf) = vpow2.f32 v13  }
0x4c: {  	v12 =	vmul.f32 $1.442695020e+00, v12;
	v13 =	vadd.f32 v21, v11;
	(erf) = vpow2.f32 v14  }
0x4d: {  	v14 =	vmul.f32 $1.442695020e+00, v19;
	(erf) = vpow2.f32 v17  }
0x4e: {  	v13 =	vmul.f32 $1.442695020e+00, v13;
	(erf) = vpow2.f32 v12;
	v12 =	vadd.f32 v18, v11  }
0x4f: {  	v16 =	vadd.f32 v16, v11;
	(erf) = vpow2.f32 v14;
	v14 =	vadd.f32 v15, v11  }
0x50: {  	v12 =	vmul.f32 $1.442695020e+00, v12  }
0x51: {  	v17 =	vld [tilespmem:s15+$0x40];
	v16 =	vmul.f32 $1.442695020e+00, v16;
	v15 =	vpop (erf);
	v14 =	vmul.f32 $1.442695020e+00, v14  }
0x52: {  	(erf) = vpow2.f32 v13;
	v13 =	vpop (erf);
	v15 =	vadd.f32 $1.000000000e+00, v15  }
0x53: {  	v19 =	vpop (erf);
	(erf) = vpow2.f32 v16  }
0x54: {  	(erf) = vpow2.f32 v12;
	v12 =	vpop (erf)  }
0x55: {  	(erf) = vpow2.f32 v14;
	v14 =	vpop (erf)  }
0x56: {  	v16 =	vadd.f32 v17, v11;
	v12 =	vadd.f32 $1.000000000e+00, v12;
	(erf) = vrcp.f32 v15;
	v15 =	vpop (erf)  }
0x57: {  	v17 =	vpop (erf)  }
0x58: {  	v16 =	vmul.f32 $1.442695020e+00, v16;
	(erf) = vrcp.f32 v12;
	v12 =	vadd.f32 $1.000000000e+00, v17  }
0x59: {  	v14 =	vadd.f32 $1.000000000e+00, v14;
	v17 =	vpop (erf)  }
0x5a: {  	(erf) = vpow2.f32 v16;
	v16 =	vld [tilespmem:s15+$0x10];
	v17 =	vadd.f32 $1.000000000e+00, v17  }
0x5b: {  	v18 =	vpop (erf);
	(erf) = vrcp.f32 v14  }
0x5c: {  	s31 =	simm.s32 $0x180;
	v13 =	vadd.f32 $1.000000000e+00, v13;
	(erf) = vrcp.f32 v12;
	v12 =	vpop (erf)  }
0x5d: {  	v23 =	vld [tilespmem:s31+$0xFFFFFF80];
	(erf) = vrcp.f32 v17;
	v12 =	vadd.f32 $1.000000000e+00, v12  }
0x5e: {  	v14 =	vld [tilespmem:s15+$0x60];
	v17 =	vpop (erf);
	(erf) = vrcp.f32 v13  }
0x5f: {  	v20 =	vpop (erf);
	(erf) = vrcp.f32 v12;
	v12 =	vadd.f32 v16, v11  }
0x60: {  	v13 =	vadd.f32 $1.000000000e+00, v18  }
0x61: {  	v16 =	vadd.f32 $1.000000000e+00, v17;
	v17 =	vpop (erf);
	v12 =	vmul.f32 $1.442695020e+00, v12  }
0x62: {  	v22 =	vpop (erf);
	(erf) = vrcp.f32 v13  }
0x63: {  	v26 =	vld [tilespmem:s31+$0x30];
	v23 =	vadd.f32 v23, v11;
	v13 =	vadd.f32 v14, v11;
	v21 =	vpop (erf);
	(erf) = vrcp.f32 v16  }
0x64: {  	v14 =	vadd.f32 $1.000000000e+00, v20;
	v16 =	vadd.f32 $1.000000000e+00, v17;
	v20 =	vpop (erf)  }
0x65: {  	v29 =	vld [tilespmem:s31+$0x70];
	v19 =	vadd.f32 $1.000000000e+00, v19;
	(erf) = vpow2.f32 v12;
	v20 =	vadd.f32 $1.000000000e+00, v20;
	v12 =	vpop (erf)  }
0x66: {  	v32 =	vld [tilespmem:s31+$0xFFFFFFC0];
	v18 =	vimm.f32 $0.0e+00;
	v13 =	vmul.f32 $1.442695020e+00, v13;
	(erf) = vrcp.f32 v16;
	v25 =	vpop (erf)  }
0x67: {  	v33 =	vld [tilespmem:s31+$0xFFFFFFD0];
	v24 =	vadd.f32 v22, v18;
	v22 =	vmul.f32 v22, v22;
	v28 =	vpop (erf);
	(erf) = vrcp.f32 v20  }
0x68: {  	v26 =	vadd.f32 v26, v11;
	v27 =	vmul.f32 v25, v25;
	v20 =	vld [tilespmem:s31+$0xFFFFFFF0];
	v16 =	vpop (erf);
	(erf) = vpow2.f32 v13  }
0x69: {  	v34 =	vld [tilespmem:s31+$0xFFFFFFB0];
	v23 =	vmul.f32 $1.442695020e+00, v23;
	v15 =	vadd.f32 $1.000000000e+00, v15;
	v31 =	vpop (erf);
	(erf) = vrcp.f32 v14  }
0x6a: {  	v22 =	vadd.f32 v22, v18;
	v14 =	vadd.f32 v25, v24;
	v24 =	vld [tilespmem:s31+$0x10];
	(erf) = vrcp.f32 v19  }
0x6b: {  	v29 =	vadd.f32 v29, v11;
	v32 =	vadd.f32 v32, v11;
	v19 =	vpop (erf);
	(erf) = vrcp.f32 v15  }
0x6c: {  	v38 =	vld [tilespmem:s31+$0xFFFFFFE0];
	v22 =	vadd.f32 v27, v22;
	v27 =	vpop (erf);
	v14 =	vadd.f32 v19, v14;
	(erf) = vpow2.f32 v23  }
0x6d: {  	v33 =	vadd.f32 v33, v11;
	v15 =	vadd.f32 v20, v11  }
0x6e: {  	v34 =	vadd.f32 v34, v11;
	v26 =	vmul.f32 $1.442695020e+00, v26;
	v23 =	vpop (erf);
	v14 =	vadd.f32 v31, v14  }
0x6f: {  	v29 =	vmul.f32 $1.442695020e+00, v29;
	v37 =	vmul.f32 $1.442695020e+00, v15;
	v15 =	vadd.f32 v24, v11;
	v24 =	vpop (erf)  }
0x70: {  	v33 =	vmul.f32 $1.442695020e+00, v33;
	v34 =	vmul.f32 $1.442695020e+00, v34;
	v13 =	vld [tilespmem:s31+$0x20];
	v23 =	vadd.f32 $1.000000000e+00, v23;
	v39 =	vpop (erf)  }
0x71: {  	v38 =	vadd.f32 v38, v11;
	v32 =	vmul.f32 $1.442695020e+00, v32;
	v25 =	vmul.f32 v31, v31;
	v31 =	vld [tilespmem:s31+$0xFFFFFFA0];
	v40 =	vpop (erf)  }
0x72: {  	v41 =	vld [tilespmem:s31+$0x40];
	v20 =	vmul.f32 v27, v27;
	v27 =	vadd.f32 v27, v14;
	(erf) = vrcp.f32 v23;
	v14 =	vpop (erf)  }
0x73: {  	v38 =	vmul.f32 $1.442695020e+00, v38;
	(erf) = vpow2.f32 v26;
	v26 =	vpop (erf)  }
0x74: {  	v35 =	vld [tilespmem:s31+$0xFFFFFF90];
	v17 =	vmul.f32 v21, v21;
	v19 =	vmul.f32 v19, v19;
	v40 =	vadd.f32 $1.000000000e+00, v40;
	v43 =	vpop (erf)  }
0x75: {  	v52 =	vld [tilespmem:s31+$0x0];
	v30 =	vmul.f32 v28, v28;
	v36 =	vadd.f32 v13, v11;
	v44 =	vpop (erf);
	(erf) = vpow2.f32 v37  }
0x76: {  	v54 =	vld [tilespmem:s31+$0x50];
	v19 =	vadd.f32 v19, v22;
	v31 =	vadd.f32 v31, v11;
	(erf) = vrcp.f32 v40  }
0x77: {  	v55 =	vadd.f32 v41, v11;
	v36 =	vmul.f32 $1.442695020e+00, v36;
	(erf) = vpow2.f32 v33  }
0x78: {  	v19 =	vadd.f32 v25, v19;
	v31 =	vmul.f32 $1.442695020e+00, v31;
	(erf) = vpow2.f32 v29  }
0x79: {  	v56 =	vadd.f32 v24, v18;
	v23 =	vadd.f32 v35, v11;
	v29 =	vld [tilespmem:s31+$0x60];
	(erf) = vpow2.f32 v34  }
0x7a: {  	v24 =	vmul.f32 v24, v24;
	v35 =	vadd.f32 v52, v11;
	(erf) = vpow2.f32 v31  }
0x7b: {  	v23 =	vmul.f32 $1.442695020e+00, v23;
	v31 =	vadd.f32 v54, v11;
	(erf) = vpow2.f32 v36  }
0x7c: {  	v27 =	vadd.f32 v28, v27;
	v28 =	vmul.f32 $1.442695020e+00, v35;
	v25 =	vpop (erf);
	(erf) = vpow2.f32 v32  }
0x7d: {  	v59 =	vadd.f32 v20, v19;
	v58 =	vpop (erf);
	v31 =	vmul.f32 $1.442695020e+00, v31;
	(erf) = vpow2.f32 v38  }
0x7e: {  	v62 =	vmul.f32 v16, v16;
	v20 =	vadd.f32 v29, v11;
	v19 =	vpop (erf);
	(erf) = vpow2.f32 v28  }
0x7f: {  	v29 =	vadd.f32 v30, v59;
	v28 =	vadd.f32 v43, v56;
	(erf) = vpow2.f32 v31;
	v30 =	vpop (erf)  }
0x80: {  	v18 =	vadd.f32 v24, v18;
	v57 =	vmul.f32 v43, v43;
	(erf) = vpow2.f32 v23;
	v23 =	vpop (erf)  }
0x81: {  	v13 =	vmul.f32 v12, v12;
	v22 =	vmul.f32 $1.442695020e+00, v55;
	v53 =	vadd.f32 $1.000000000e+00, v44;
	v24 =	vpop (erf)  }
0x82: {  	v15 =	vmul.f32 $1.442695020e+00, v15;
	v18 =	vadd.f32 v57, v18;
	v23 =	vadd.f32 $1.000000000e+00, v23;
	v31 =	vpop (erf)  }
0x83: {  	v27 =	vadd.f32 v39, v27;
	v21 =	vadd.f32 v21, v28;
	(erf) = vrcp.f32 v53;
	v28 =	vpop (erf)  }
0x84: {  	v17 =	vadd.f32 v17, v18;
	(erf) = vrcp.f32 v23;
	v23 =	vadd.f32 $1.000000000e+00, v28  }
0x85: {  	v42 =	vmul.f32 v39, v39;
	v27 =	vadd.f32 v30, v27;
	v24 =	vadd.f32 $1.000000000e+00, v24  }
0x86: {  	v21 =	vadd.f32 v26, v21;
	v26 =	vmul.f32 v26, v26;
	v28 =	vpop (erf);
	(erf) = vpow2.f32 v22  }
0x87: {  	v18 =	vadd.f32 $1.000000000e+00, v28;
	v22 =	vpop (erf);
	(erf) = vrcp.f32 v24;
	v28 =	vmul.f32 v30, v30  }
0x88: {  	v17 =	vadd.f32 v26, v17;
	v30 =	vmul.f32 v25, v25;
	(erf) = vrcp.f32 v23;
	v23 =	vpop (erf)  }
0x89: {  	v60 =	vadd.f32 $1.000000000e+00, v23;
	v23 =	vadd.f32 $1.000000000e+00, v58;
	v24 =	vpop (erf);
	(erf) = vrcp.f32 v18  }
0x8a: {  	v29 =	vadd.f32 v42, v29;
	v26 =	vmul.f32 v14, v14;
	v18 =	vadd.f32 $1.000000000e+00, v22;
	v22 =	vpop (erf)  }
0x8b: {  	v25 =	vadd.f32 v25, v21;
	v30 =	vadd.f32 v30, v17;
	v63 =	vpop (erf);
	(erf) = vrcp.f32 v23  }
0x8c: {  	v61 =	vadd.f32 $1.000000000e+00, v24;
	v23 =	vadd.f32 $1.000000000e+00, v22;
	(erf) = vrcp.f32 v60  }
0x8d: {  	v22 =	vadd.f32 v28, v29;
	v24 =	vpop (erf);
	v28 =	vadd.f32 $1.000000000e+00, v63;
	(erf) = vrcp.f32 v18  }
0x8e: {  	v21 =	vadd.f32 v24, v27;
	v17 =	vpop (erf);
	v27 =	vadd.f32 v16, v25;
	(erf) = vrcp.f32 v61  }
0x8f: {  	s16 =	simm.s32 $0x280;
	s15 =	simm.s32 $0x8;
	v18 =	vadd.f32 v62, v30;
	v25 =	vadd.f32 $1.000000000e+00, v31;
	v16 =	vmul.f32 v17, v17;
	v29 =	vpop (erf)  }
.LBB2_5:
0x90: {  	v30 =	vld [tilespmem:s16+$0xFFFFFF80];
	s15 =	sadd.s32 $0x8, s15;
	v20 =	vmul.f32 $1.442695020e+00, v20;
	(erf) = vpow2.f32 v15;
	v15 =	vpop (erf);
	v14 =	vadd.f32 v14, v27  }
0x91: {  	v29 =	vadd.f32 $1.000000000e+00, v29;
	v34 =	vadd.f32 v26, v18;
	v27 =	vld [tilespmem:s16+$0x20];
	p1 =	slt.u32 s15, $0x78;
	(erf) = vrcp.f32 v28;
	v28 =	vpop (erf)  }
0x92: {  	v35 =	vmul.f32 v24, v24;
	v26 =	vld [tilespmem:s16+$0x30];
	v31 =	vmul.f32 v28, v28;
	v32 =	vpop (erf);
	v33 =	vadd.f32 v12, v14  }
0x93: {  	v28 =	vadd.f32 v28, v21;
	v21 =	vadd.f32 v13, v34;
	v12 =	vmovc v15;
	v14 =	vld [tilespmem:s16+$0x70];
	(erf) = vrcp.f32 v29  }
0x94: {  	v19 =	vadd.f32 $1.000000000e+00, v19;
	v29 =	vmul.f32 v32, v32;
	v13 =	vld [tilespmem:s16+$0xFFFFFFF0];
	v18 =	vpop (erf);
	(erf) = vpow2.f32 v20  }
0x95: {  	v22 =	vadd.f32 v35, v22;
	v20 =	vadd.f32 v30, v11;
	v30 =	vld [tilespmem:s16+$0xFFFFFFE0];
	v24 =	vpop (erf);
	(erf) = vrcp.f32 v23  }
0x96: {  	v23 =	vld [tilespmem:s16+$0x10];
	v34 =	vmul.f32 v24, v24;
	v35 =	vpop (erf);
	(erf) = vrcp.f32 v19  }
0x97: {  	v22 =	vadd.f32 v31, v22;
	v19 =	vmul.f32 $1.442695020e+00, v20;
	v20 =	vld [tilespmem:s16+$0xFFFFFFC0];
	v26 =	vadd.f32 v26, v11;
	v31 =	vpop (erf)  }
0x98: {  	v39 =	vadd.f32 v35, v28;
	v36 =	vld [tilespmem:s16+$0xFFFFFFD0];
	v14 =	vadd.f32 v14, v11;
	(erf) = vrcp.f32 v25  }
0x99: {  	v25 =	vld [tilespmem:s16+$0xFFFFFFB0];
	v13 =	vadd.f32 v13, v11;
	(erf) = vpow2.f32 v19;
	v19 =	vmul.f32 v31, v31;
	v37 =	vpop (erf)  }
0x9a: {  	v27 =	vadd.f32 v27, v11;
	v26 =	vmul.f32 $1.442695020e+00, v26;
	v43 =	vadd.f32 v24, v39;
	v38 =	vld [tilespmem:s16+$0xFFFFFF90];
	v28 =	vpop (erf)  }
0x9b: {  	v37 =	vadd.f32 $1.000000000e+00, v37;
	v39 =	vld [tilespmem:s16+$0xFFFFFFA0];
	v40 =	vmul.f32 $1.442695020e+00, v13;
	v23 =	vadd.f32 v23, v11  }
0x9c: {  	v41 =	vmul.f32 $1.442695020e+00, v14;
	v13 =	vmul.f32 v15, v12;
	v20 =	vadd.f32 v20, v11;
	v42 =	vpop (erf)  }
0x9d: {  	v36 =	vadd.f32 v36, v11;
	v15 =	vmul.f32 $1.442695020e+00, v23;
	v23 =	vadd.f32 v31, v43;
	v24 =	vpop (erf)  }
0x9e: {  	v31 =	vmul.f32 v35, v35;
	v25 =	vadd.f32 v25, v11;
	(erf) = vrcp.f32 v37;
	v14 =	vpop (erf)  }
0x9f: {  	v35 =	vadd.f32 v38, v11;
	v36 =	vmul.f32 $1.442695020e+00, v36;
	v37 =	vld [tilespmem:s16+$0x0];
	(erf) = vpow2.f32 v26;
	v26 =	vpop (erf)  }
0xa0: {  	v27 =	vmul.f32 $1.442695020e+00, v27;
	v38 =	vadd.f32 v39, v11;
	v25 =	vmul.f32 $1.442695020e+00, v25;
	v39 =	vld [tilespmem:s16+$0x40]  }
0xa1: {  	v43 =	vmul.f32 v42, v42;
	v24 =	vadd.f32 $1.000000000e+00, v24;
	v35 =	vmul.f32 $1.442695020e+00, v35;
	v44 =	vpop (erf)  }
0xa2: {  	v30 =	vadd.f32 v30, v11;
	v38 =	vmul.f32 $1.442695020e+00, v38;
	v45 =	vpop (erf);
	(erf) = vpow2.f32 v40  }
0xa3: {  	v20 =	vmul.f32 $1.442695020e+00, v20;
	v40 =	vadd.f32 $1.000000000e+00, v45;
	v45 =	vld [tilespmem:s16+$0x50];
	(erf) = vrcp.f32 v24  }
0xa4: {  	v24 =	vmul.f32 $1.442695020e+00, v30;
	v30 =	vadd.f32 v37, v11;
	(erf) = vpow2.f32 v36  }
0xa5: {  	v23 =	vadd.f32 v32, v23;
	v36 =	vadd.f32 v39, v11;
	(erf) = vpow2.f32 v41  }
0xa6: {  	v22 =	vadd.f32 v31, v22;
	v30 =	vmul.f32 $1.442695020e+00, v30;
	(erf) = vpow2.f32 v25  }
0xa7: {  	v23 =	vadd.f32 v42, v23;
	v25 =	vmul.f32 $1.442695020e+00, v36;
	v31 =	vld [tilespmem:s16+$0x60];
	(erf) = vpow2.f32 v38;
	v32 =	vpop (erf)  }
0xa8: {  	v22 =	vadd.f32 v34, v22;
	v36 =	vadd.f32 v45, v11;
	(erf) = vpow2.f32 v27;
	v27 =	vpop (erf)  }
0xa9: {  	(erf) = vpow2.f32 v20;
	v20 =	vadd.f32 v28, v33;
	v33 =	vmul.f32 v44, v44  }
0xaa: {  	v22 =	vadd.f32 v19, v22;
	v34 =	vmul.f32 $1.442695020e+00, v36;
	(erf) = vpow2.f32 v24  }
0xab: {  	v24 =	vmul.f32 v28, v28;
	v19 =	vpop (erf);
	(erf) = vpow2.f32 v30;
	v36 =	vadd.f32 v44, v20  }
0xac: {  	v22 =	vadd.f32 v29, v22;
	v20 =	vadd.f32 v31, v11;
	(erf) = vpow2.f32 v34;
	v29 =	vpop (erf)  }
0xad: {  	v21 =	vadd.f32 v24, v21;
	(erf) = vpow2.f32 v35;
	v30 =	vpop (erf);
	v17 =	vadd.f32 v17, v36  }
0xae: {  	v24 =	vadd.f32 $1.000000000e+00, v30;
	(erf) = vrcp.f32 v40;
	v28 =	vpop (erf);
	v30 =	vadd.f32 v29, v23  }
0xaf: {  	v21 =	vadd.f32 v33, v21;
	v23 =	vmul.f32 v26, v26;
	v31 =	vpop (erf);
	v17 =	vadd.f32 v26, v17  }
0xb0: {  	v22 =	vadd.f32 v43, v22;
	v26 =	vadd.f32 $1.000000000e+00, v28;
	v28 =	vpop (erf);
	(erf) = vrcp.f32 v24  }
0xb1: {  	v16 =	vadd.f32 v16, v21;
	v33 =	vadd.f32 $1.000000000e+00, v28;
	v28 =	vpop (erf);
	(erf) = vpow2.f32 v25  }
0xb2: {  	v34 =	vadd.f32 $1.000000000e+00, v28;
	v25 =	vpop (erf);
	(erf) = vrcp.f32 v26;
	v28 =	vmul.f32 v29, v29  }
0xb3: {  	v16 =	vadd.f32 v23, v16;
	v29 =	vmul.f32 v32, v32;
	(erf) = vrcp.f32 v33;
	v24 =	vpop (erf)  }
0xb4: {  	v23 =	vadd.f32 $1.000000000e+00, v27;
	v33 =	vadd.f32 $1.000000000e+00, v24;
	v24 =	vpop (erf);
	(erf) = vrcp.f32 v34  }
0xb5: {  	v25 =	vadd.f32 $1.000000000e+00, v25;
	v34 =	vmul.f32 v18, v18;
	v27 =	vadd.f32 $1.000000000e+00, v24;
	v21 =	vpop (erf)  }
.Ltmp1:
0xb6: {  	v32 =	vadd.f32 v32, v17;
	v26 =	vmul.f32 v14, v14;
	v35 =	vpop (erf);
	(erf) = vrcp.f32 v23;
	(pc) =	sbr.rel @p1 .LBB2_5-.Ltmp1, $4  }
0xb7: {  	v16 =	vadd.f32 v29, v16;
	v23 =	vadd.f32 $1.000000000e+00, v21;
	v24 =	vpop (erf);
	(erf) = vrcp.f32 v33  }
0xb8: {  	v22 =	vadd.f32 v28, v22;
	v21 =	vadd.f32 v24, v30;
	(erf) = vrcp.f32 v25  }
0xb9: {  	v17 =	vpop (erf);
	(erf) = vrcp.f32 v27;
	v27 =	vadd.f32 v18, v32;
	v18 =	vadd.f32 v34, v16  }
0xba: {  	s16 =	sadd.s32 $0x100, s16;
	v28 =	vadd.f32 $1.000000000e+00, v35;
	v25 =	vadd.f32 $1.000000000e+00, v31;
	v16 =	vmul.f32 v17, v17;
	v29 =	vpop (erf)  }
0xbb: {  	v11 =	vadd.f32 $1.000000000e+00, v29  }
0xbc: {  	(erf) = vpow2.f32 v15  }
0xbd: {  	v57 =	vmul.f32 $1.442695020e+00, v20;
	(erf) = vrcp.f32 v28  }
0xbe: {  	v58 =	vpop (erf);
	(erf) = vrcp.f32 v11  }
0xbf: {  	v19 =	vadd.f32 $1.000000000e+00, v19;
	v11 =	vpop (erf);
	(erf) = vpow2.f32 v57  }
0xc0: {  	v59 =	vpop (erf);
	(erf) = vrcp.f32 v23  }
0xc1: {  	v60 =	vpop (erf);
	(erf) = vrcp.f32 v19  }
0xc2: {  	v61 =	vpop (erf);
	(erf) = vrcp.f32 v25  }
0xc3: {  	v62 =	vpop (erf)  }
0xc4: {  	v63 =	vpop (erf)  }
0xc5: {  	v33 =	vpop (erf)  }
0xc6: {  	v30 =	vpop (erf);
	v29 =	vadd.f32 $1.000000000e+00, v33  }
0xc7: {  	v14 =	vadd.f32 v14, v27;
	v34 =	vpop (erf)  }
0xc8: {  	v18 =	vadd.f32 v26, v18;
	v24 =	vmul.f32 v24, v24;
	v35 =	vpop (erf);
	(erf) = vrcp.f32 v29  }
0xc9: {  	v12 =	vadd.f32 v12, v14;
	v36 =	vpop (erf)  }
0xca: {  	v13 =	vadd.f32 v13, v18;
	v22 =	vadd.f32 v24, v22;
	v38 =	vmul.f32 v30, v30;
	v37 =	vpop (erf)  }
0xcb: {  	v21 =	vadd.f32 v11, v21;
	v11 =	vmul.f32 v11, v11;
	v39 =	vadd.f32 $1.000000000e+00, v35;
	v40 =	vpop (erf)  }
0xcc: {  	v12 =	vadd.f32 v30, v12;
	v13 =	vadd.f32 v38, v13;
	v41 =	vmul.f32 v40, v40  }
0xcd: {  	v11 =	vadd.f32 v11, v22;
	v42 =	vmul.f32 v62, v62;
	(erf) = vrcp.f32 v39  }
0xce: {  	v12 =	vadd.f32 v40, v12;
	v13 =	vadd.f32 v41, v13  }
0xcf: {  	v43 =	vmul.f32 v61, v61;
	v21 =	vadd.f32 v62, v21;
	v11 =	vadd.f32 v42, v11  }
0xd0: {  	v44 =	vmul.f32 v37, v37;
	v12 =	vadd.f32 v17, v12;
	v13 =	vadd.f32 v16, v13  }
0xd1: {  	v45 =	vmul.f32 v63, v63;
	v19 =	vadd.f32 v61, v21;
	v11 =	vadd.f32 v43, v11;
	v46 =	vpop (erf)  }
0xd2: {  	v12 =	vadd.f32 v37, v12;
	v13 =	vadd.f32 v44, v13;
	v47 =	vmul.f32 v46, v46  }
0xd3: {  	v48 =	vmul.f32 v59, v59;
	v19 =	vadd.f32 v63, v19;
	v11 =	vadd.f32 v45, v11  }
0xd4: {  	v49 =	vmul.f32 v60, v60;
	v12 =	vadd.f32 v46, v12;
	v13 =	vadd.f32 v47, v13  }
0xd5: {  	v50 =	vmul.f32 v34, v34;
	v15 =	vadd.f32 v59, v19;
	v11 =	vadd.f32 v48, v11  }
0xd6: {  	v52 =	vmul.f32 v36, v36;
	v51 =	vpop (erf);
	v12 =	vadd.f32 v60, v12;
	v13 =	vadd.f32 v49, v13  }
0xd7: {  	v15 =	vadd.f32 v34, v15;
	v11 =	vadd.f32 v50, v11;
	v53 =	vmul.f32 v51, v51  }
0xd8: {  	v54 =	vmul.f32 v58, v58;
	v12 =	vadd.f32 v36, v12;
	v13 =	vadd.f32 v52, v13  }
0xd9: {  	v55 =	vadd.f32 v51, v15;
	v11 =	vadd.f32 v53, v11  }
0xda: {  	v12 =	vadd.f32 v58, v12;
	v13 =	vadd.f32 v54, v13;
	_ =	sdelay $0x1  }
0xdb: {  	v12 =	vadd.f32 v12, v55;
	v11 =	vadd.f32 v13, v11;
	_ =	sdelay $0x1  }
0xdc: {  	v56 =	vperm.xlane v12, v0;
	v57 =	vperm.xlane v11, v0;
	_ =	sdelay $0x1  }
0xdd: {  	v12 =	vadd.f32 v56, v12;
	v11 =	vadd.f32 v57, v11;
	_ =	sdelay $0x1  }
0xde: {  	v13 =	vperm.xlane v12, v1;
	v14 =	vperm.xlane v11, v1;
	_ =	sdelay $0x1  }
0xdf: {  	v12 =	vadd.f32 v13, v12;
	v11 =	vadd.f32 v14, v11;
	_ =	sdelay $0x1  }
0xe0: {  	v13 =	vperm.xlane v12, v2;
	v14 =	vperm.xlane v11, v2;
	_ =	sdelay $0x1  }
0xe1: {  	v12 =	vadd.f32 v13, v12;
	v11 =	vadd.f32 v14, v11;
	_ =	sdelay $0x1  }
0xe2: {  	v13 =	vperm.xlane v12, v3;
	v14 =	vperm.xlane v11, v3;
	_ =	sdelay $0x1  }
0xe3: {  	v12 =	vadd.f32 v13, v12;
	v11 =	vadd.f32 v14, v11;
	_ =	sdelay $0x1  }
0xe4: {  	v11 =	vsub.f32 v12, v11;
	_ =	sdelay $0x1  }
0xe5: {  	v11 =	vadd.f32 $1.000000000e-30, v11  }
0xe6: {  	v12 =	vadd.f32 $-6.400000000e+01, v12  }
0xe7: {  	(erf) = vrcp.f32 v11  }
0xe8: {  	vm15 =	vlt.f32 v12, $0.0e+00  }
0xe9: {  	v5 =	vsel vm15, v9, v5;
	v6 =	vsel vm15, v6, v9  }
0xea: {  	v58 =	vsub.f32 v9, v6;
	v59 =	vsub.f32 v9, v5;
	_ =	sdelay $0x1  }
0xeb: {  	v60 =	vand.u32 $0x7FFFFFFF, v12;
	v13 =	vmul.f32 v11, v58;
	v14 =	vmul.f32 v11, v59  }
0xec: {  	v10 =	vmul.f32 v11, v10;
	v61 =	vsub.f32 v6, v5;
	v11 =	vadd.f32 v60, v60  }
0xed: {  	v13 =	vsub.f32 v13, v12;
	v14 =	vsub.f32 v14, v12  }
0xee: {  	s14 =	sadd.s32 $0x1, s14;
	v10 =	vand.u32 $0x7FFFFFFF, v10  }
0xef: {  	p1 =	sne.s32 s14, $0x7;
	vm0 =	vgt.f32 v11, v10;
	v11 =	vmul.f32 $5.000000000e-01, v61;
	v13 =	vmul.f32 v14, v13;
	v62 =	vpop (erf)  }
.Ltmp2:
0xf0: {  	v10 =	vmul.f32 v62, v12;
	(pc) =	sbr.rel @p1 .LBB2_4-.Ltmp2, $4  }
0xf1: {  	v63 =	vadd.f32 v11, v5;
	vm15 =	vgt.f32 v13, $0.0e+00  }
0xf2: {  	vm0 =	vmor vm0, vm15;
	vm15 =	vlt.f32 v60, v7;
	v13 =	vsub.f32 v9, v10  }
0xf3: {  	v4 =	vsel vm15, v9, v4;
	v11 =	vsel vm0, v11, v10  }
0xf4: {  	v7 =	vsel vm15, v60, v7;
	v10 =	vmovc v8;
	v9 =	vsel vm0, v63, v13;
	v8 =	vmov v11  }
0xf5: {  	[tilespmem:$0x2000] =	vst v4  }
0xf6: {  	[spmem:s4] =	stream.linear.scatter [tilespmem:s11], [sflag:$0x1], $0x10, $0x38;
	[tilespmem:$0x2190] =	vst v63  }
0xf7: {  	_ =	swait.ge [sflag:s10], $0x10  }
0xf8: {  	[sflag:s10] =	ssyncset.done $0x0  }
0xf9: {  	s14 =	simm.s32 $0x40;
	[sflag:s10] =	ssyncadd.s32 $0xFFFFFFF0  }
0xfa: {  	v5 =	vld [tilespmem:s14+$0xFFFFFFC0];
	_ =	sdelay $0x1  }
0xfb: {  	v6 =	vld [tilespmem:s14+$0xFFFFFFE0]  }
0xfc: {  	v4 =	vsub.f32 $0.0e+00, v4  }
0xfd: {  	v7 =	vld [tilespmem:s14+$0x20]  }
0xfe: {  	v8 =	vld [tilespmem:s14+$0x30];
	v5 =	vadd.f32 v5, v4  }
0xff: {  	v9 =	vld [tilespmem:s14+$0x10]  }
0x100: {  	v6 =	vadd.f32 v6, v4;
	v5 =	vmul.f32 $1.442695020e+00, v5  }
0x101: {  	v10 =	vld [tilespmem:s14+$0xFFFFFFF0]  }
0x102: {  	v11 =	vld [tilespmem:s14+$0xFFFFFFD0];
	v6 =	vmul.f32 $1.442695020e+00, v6;
	(erf) = vpow2.f32 v5;
	v5 =	vadd.f32 v7, v4  }
0x103: {  	s30 =	simm.s32 $0xC0;
	v7 =	vadd.f32 v8, v4  }
0x104: {  	v8 =	vadd.f32 v9, v4;
	v9 =	vld [tilespmem:s30+$0xFFFFFFC0];
	(erf) = vpow2.f32 v6;
	v5 =	vmul.f32 $1.442695020e+00, v5  }
0x105: {  	v6 =	vld [tilespmem:s14+$0x0]  }
0x106: {  	v10 =	vadd.f32 v10, v4;
	v7 =	vmul.f32 $1.442695020e+00, v7;
	(erf) = vpow2.f32 v5;
	v5 =	vld [tilespmem:s30+$0xFFFFFFE0]  }
0x107: {  	v11 =	vadd.f32 v11, v4;
	v8 =	vmul.f32 $1.442695020e+00, v8  }
0x108: {  	v12 =	vld [tilespmem:s30+$0x30];
	v10 =	vmul.f32 $1.442695020e+00, v10;
	(erf) = vpow2.f32 v7  }
0x109: {  	v11 =	vmul.f32 $1.442695020e+00, v11;
	v7 =	vld [tilespmem:s30+$0x20];
	(erf) = vpow2.f32 v8  }
0x10a: {  	v6 =	vadd.f32 v6, v4;
	v8 =	vadd.f32 v9, v4;
	(erf) = vpow2.f32 v10  }
0x10b: {  	v9 =	vld [tilespmem:s30+$0x10];
	(erf) = vpow2.f32 v11;
	v5 =	vadd.f32 v5, v4  }
0x10c: {  	v6 =	vmul.f32 $1.442695020e+00, v6;
	v11 =	vld [tilespmem:s30+$0xFFFFFFF0];
	v8 =	vmul.f32 $1.442695020e+00, v8;
	v10 =	vpop (erf)  }
0x10d: {  	v14 =	vld [tilespmem:s30+$0x0];
	v12 =	vadd.f32 v12, v4;
	v13 =	vpop (erf);
	v5 =	vmul.f32 $1.442695020e+00, v5  }
0x10e: {  	v7 =	vadd.f32 v7, v4;
	(erf) = vpow2.f32 v6;
	v6 =	vld [tilespmem:s30+$0xFFFFFFD0];
	v13 =	vadd.f32 $1.000000000e+00, v13  }
0x10f: {  	v12 =	vmul.f32 $1.442695020e+00, v12;
	(erf) = vpow2.f32 v8  }
0x110: {  	s31 =	simm.s32 $0x140;
	v10 =	vadd.f32 $1.000000000e+00, v10;
	v7 =	vmul.f32 $1.442695020e+00, v7;
	(erf) = vrcp.f32 v13;
	v8 =	vpop (erf)  }
0x111: {  	v15 =	vld [tilespmem:s31+$0xFFFFFFC0];
	v9 =	vadd.f32 v9, v4;
	v11 =	vadd.f32 v11, v4;
	(erf) = vpow2.f32 v5;
	v5 =	vpop (erf)  }
0x112: {  	v8 =	vadd.f32 $1.000000000e+00, v8;
	(erf) = vpow2.f32 v7;
	v7 =	vadd.f32 v14, v4;
	v14 =	vld [tilespmem:s31+$0xFFFFFFE0];
	v13 =	vpop (erf)  }
0x113: {  	v9 =	vmul.f32 $1.442695020e+00, v9;
	v6 =	vadd.f32 v6, v4;
	(erf) = vpow2.f32 v12;
	v12 =	vpop (erf)  }
0x114: {  	v16 =	vld [tilespmem:s31+$0x30];
	(erf) = vrcp.f32 v8;
	v8 =	vmul.f32 $1.442695020e+00, v11;
	v11 =	vadd.f32 $1.000000000e+00, v13;
	v13 =	vpop (erf)  }
0x115: {  	(erf) = vpow2.f32 v9;
	v9 =	vadd.f32 $1.000000000e+00, v13;
	v13 =	vld [tilespmem:s31+$0x20]  }
0x116: {  	v17 =	vld [tilespmem:s31+$0x10];
	v15 =	vadd.f32 v15, v4;
	v6 =	vmul.f32 $1.442695020e+00, v6;
	(erf) = vrcp.f32 v10  }
0x117: {  	v10 =	vadd.f32 $1.000000000e+00, v12;
	v12 =	vpop (erf);
	(erf) = vpow2.f32 v8;
	v8 =	vadd.f32 v14, v4;
	v14 =	vld [tilespmem:s31+$0xFFFFFFF0]  }
0x118: {  	v20 =	vld [tilespmem:s31+$0xFFFFFFD0];
	v5 =	vadd.f32 $1.000000000e+00, v5;
	v7 =	vmul.f32 $1.442695020e+00, v7;
	v18 =	vpop (erf);
	(erf) = vrcp.f32 v9  }
0x119: {  	(erf) = vrcp.f32 v11;
	v21 =	vmul.f32 $1.442695020e+00, v8;
	v8 =	vadd.f32 v16, v4;
	v9 =	vpop (erf)  }
0x11a: {  	(erf) = vrcp.f32 v10;
	v10 =	vmul.f32 $1.442695020e+00, v15;
	v16 =	vpop (erf);
	v13 =	vadd.f32 v13, v4  }
0x11b: {  	v19 =	vld [tilespmem:s31+$0x0];
	(erf) = vpow2.f32 v6;
	v11 =	vmul.f32 $1.442695020e+00, v8;
	v15 =	vpop (erf);
	v8 =	vadd.f32 $1.000000000e+00, v16  }
0x11c: {  	(erf) = vrcp.f32 v5;
	v14 =	vadd.f32 v14, v4;
	v6 =	vpop (erf);
	v22 =	vmul.f32 $1.442695020e+00, v13  }
0x11d: {  	(erf) = vpow2.f32 v7;
	v13 =	vadd.f32 v17, v4;
	v17 =	vadd.f32 v20, v4;
	v7 =	vpop (erf)  }
0x11e: {  	v12 =	vadd.f32 $1.000000000e+00, v12;
	(erf) = vpow2.f32 v10;
	v10 =	vmul.f32 $1.442695020e+00, v14;
	v16 =	vpop (erf)  }
0x11f: {  	s15 =	simm.s32 $0x1040;
	(erf) = vrcp.f32 v8;
	v13 =	vmul.f32 $1.442695020e+00, v13;
	v8 =	vpop (erf)  }
0x120: {  	v5 =	vadd.f32 v19, v4;
	[tilespmem:s15+$0x20] =	vst v7;
	v7 =	vmul.f32 $1.442695020e+00, v17;
	(erf) = vrcp.f32 v12;
	v14 =	vpop (erf)  }
0x121: {  	s17 =	simm.s32 $0x10;
	[tilespmem:s15+$0xFFFFFFE0] =	vst v9;
	v9 =	vadd.f32 $1.000000000e+00, v16;
	v16 =	vadd.f32 $1.000000000e+00, v15;
	(erf) = vpow2.f32 v21;
	v17 =	vpop (erf)  }
0x122: {  	s18 =	simm.s32 $0x1C0;
	s16 =	simm.s32 $0x10C0;
	s14 =	simm.s32 $0x10C0;
	v15 =	vadd.f32 $1.000000000e+00, v18;
	(erf) = vpow2.f32 v22;
	v12 =	vadd.f32 $1.000000000e+00, v14;
	[tilespmem:s15+$0xFFFFFFD0] =	vst v17;
	v14 =	vpop (erf)  }
.LBB2_8:
0x123: {  	v17 =	vld [tilespmem:s18+$0xFFFFFFE0];
	s17 =	sadd.s32 $0x8, s17;
	(erf) = vpow2.f32 v11;
	v18 =	vadd.f32 $1.000000000e+00, v6;
	s14 =	sadd.s32 $0x80, s14;
	[tilespmem:s15+$0x10] =	vst v14;
	v6 =	vpop (erf)  }
0x124: {  	v11 =	vld [tilespmem:s18+$0xFFFFFFC0];
	p1 =	slt.u32 s17, $0xF8;
	v14 =	vpop (erf);
	(erf) = vrcp.f32 v16  }
0x125: {  	v16 =	vld [tilespmem:s18+$0x30];
	(erf) = vpow2.f32 v13;
	v20 =	vadd.f32 $1.000000000e+00, v14;
	[tilespmem:s15+$0xFFFFFFC0] =	vst v8;
	v8 =	vpop (erf)  }
0x126: {  	v14 =	vld [tilespmem:s18+$0x20];
	(erf) = vrcp.f32 v15;
	v15 =	vpop (erf);
	[tilespmem:s15+$0x30] =	vst v8  }
0x127: {  	v5 =	vmul.f32 $1.442695020e+00, v5;
	v8 =	vld [tilespmem:s18+$0x10];
	v19 =	vpop (erf);
	(erf) = vpow2.f32 v10;
	v15 =	vadd.f32 $1.000000000e+00, v15  }
0x128: {  	v10 =	vadd.f32 v17, v4;
	v17 =	vld [tilespmem:s18+$0xFFFFFFF0];
	(erf) = vrcp.f32 v20;
	v13 =	vpop (erf)  }
0x129: {  	v11 =	vadd.f32 v11, v4;
	v20 =	vld [tilespmem:s18+$0x0];
	(erf) = vrcp.f32 v9;
	[tilespmem:s15+$0xFFFFFFF0] =	vst v6;
	v6 =	vpop (erf)  }
0x12a: {  	v9 =	vld [tilespmem:s18+$0xFFFFFFD0];
	v21 =	vmul.f32 $1.442695020e+00, v10;
	v10 =	vadd.f32 v16, v4;
	v16 =	vpop (erf);
	(erf) = vrcp.f32 v12;
	[tilespmem:s15+$0x0] =	vst v6;
	s15 =	smov.u32 s16;
	s16 =	smov.u32 s14  }
0x12b: {  	v23 =	vmul.f32 $1.442695020e+00, v11;
	v14 =	vadd.f32 v14, v4;
	(erf) = vpow2.f32 v7;
	v22 =	vpop (erf);
	[tilespmem:s15+$0xFFFFFFE0] =	vst v13  }
0x12c: {  	v7 =	vadd.f32 $1.000000000e+00, v16;
	v11 =	vmul.f32 $1.442695020e+00, v10;
	v6 =	vpop (erf);
	(erf) = vrcp.f32 v18  }
0x12d: {  	v10 =	vadd.f32 v17, v4;
	v14 =	vmul.f32 $1.442695020e+00, v14;
	(erf) = vpow2.f32 v5;
	v13 =	vpop (erf)  }
.Ltmp3:
0x12e: {  	v16 =	vadd.f32 v8, v4;
	v5 =	vadd.f32 v20, v4;
	(erf) = vpow2.f32 v23;
	v12 =	vpop (erf);
	[tilespmem:s15+$0x20] =	vst v13;
	(pc) =	sbr.rel @p1 .LBB2_8-.Ltmp3, $4  }
0x12f: {  	v18 =	vadd.f32 v9, v4;
	v10 =	vmul.f32 $1.442695020e+00, v10;
	(erf) = vrcp.f32 v7;
	v8 =	vpop (erf)  }
0x130: {  	v13 =	vmul.f32 $1.442695020e+00, v16;
	v9 =	vadd.f32 $1.000000000e+00, v12;
	v12 =	vpop (erf);
	(erf) = vrcp.f32 v15  }
0x131: {  	v16 =	vadd.f32 $1.000000000e+00, v22;
	v7 =	vmul.f32 $1.442695020e+00, v18;
	(erf) = vpow2.f32 v21;
	v17 =	vpop (erf)  }
0x132: {  	s18 =	sadd.s32 $0x80, s18;
	v15 =	vadd.f32 $1.000000000e+00, v19;
	v12 =	vadd.f32 $1.000000000e+00, v12;
	(erf) = vpow2.f32 v14;
	[tilespmem:s15+$0xFFFFFFD0] =	vst v17;
	v14 =	vpop (erf)  }
0x133: {  	(erf) = vpow2.f32 v11;
	v4 =	vpop (erf)  }
0x134: {  	v45 =	vpop (erf);
	(erf) = vrcp.f32 v16  }
0x135: {  	(erf) = vpow2.f32 v13;
	v46 =	vpop (erf)  }
0x136: {  	v11 =	vadd.f32 $1.000000000e+00, v45;
	(erf) = vrcp.f32 v15;
	v47 =	vpop (erf)  }
0x137: {  	v48 =	vpop (erf);
	(erf) = vpow2.f32 v10  }
0x138: {  	(erf) = vrcp.f32 v11;
	v49 =	vpop (erf)  }
0x139: {  	(erf) = vrcp.f32 v9;
	v50 =	vpop (erf)  }
0x13a: {  	v51 =	vpop (erf);
	(erf) = vrcp.f32 v12  }
0x13b: {  	(erf) = vpow2.f32 v7;
	v52 =	vpop (erf)  }
0x13c: {  	v6 =	vadd.f32 $1.000000000e+00, v6;
	v5 =	vmul.f32 $1.442695020e+00, v5;
	v53 =	vpop (erf)  }
0x13d: {  	v17 =	vpop (erf)  }
0x13e: {  	(erf) = vrcp.f32 v6;
	v18 =	vpop (erf)  }
0x13f: {  	(erf) = vpow2.f32 v5;
	v54 =	vpop (erf)  }
0x140: {  	v11 =	vadd.f32 $1.000000000e+00, v51;
	v5 =	vpop (erf)  }
0x141: {  	[tilespmem:s15+$0x10] =	vst v14;
	v19 =	vpop (erf)  }
0x142: {  	[tilespmem:s15+$0xFFFFFFC0] =	vst v8;
	v55 =	vadd.f32 $1.000000000e+00, v47;
	(erf) = vrcp.f32 v11;
	v56 =	vpop (erf)  }
0x143: {  	[tilespmem:s15+$0xFFFFFFF0] =	vst v4;
	v7 =	vadd.f32 $1.000000000e+00, v52;
	v57 =	vpop (erf)  }
0x144: {  	[tilespmem:s15+$0x30] =	vst v46;
	v58 =	vadd.f32 $1.000000000e+00, v48;
	(erf) = vrcp.f32 v55;
	v59 =	vpop (erf)  }
0x145: {  	[tilespmem:s16+$0xFFFFFFE0] =	vst v49;
	(erf) = vrcp.f32 v7;
	v4 =	vadd.f32 $1.000000000e+00, v59  }
0x146: {  	[tilespmem:s15+$0x0] =	vst v50;
	v60 =	vadd.f32 $1.000000000e+00, v18;
	(erf) = vrcp.f32 v58  }
0x147: {  	[tilespmem:s16+$0x20] =	vst v17;
	v5 =	vadd.f32 $1.000000000e+00, v5;
	v61 =	vpop (erf);
	(erf) = vrcp.f32 v4;
	v4 =	vadd.f32 $1.000000000e+00, v53  }
0x148: {  	[tilespmem:s16+$0xFFFFFFC0] =	vst v54;
	v62 =	vpop (erf);
	(erf) = vrcp.f32 v60  }
0x149: {  	[tilespmem:s16+$0xFFFFFFD0] =	vst v19;
	(erf) = vrcp.f32 v5;
	v5 =	vadd.f32 $1.000000000e+00, v62  }
0x14a: {  	[tilespmem:s16+$0x10] =	vst v56;
	(erf) = vrcp.f32 v4  }
0x14b: {  	[tilespmem:s16+$0xFFFFFFF0] =	vst v57;
	v4 =	vpop (erf);
	(erf) = vrcp.f32 v5  }
0x14c: {  	s14 =	sadd.s32 $0x80, s14;
	[tilespmem:s16+$0x30] =	vst v61  }
0x14d: {  	[tilespmem:s14+$0xFFFFFFE0] =	vst v4;
	v5 =	vpop (erf)  }
0x14e: {  	[tilespmem:s16+$0x0] =	vst v5;
	v5 =	vpop (erf)  }
0x14f: {  	v4 =	vpop (erf);
	[tilespmem:s14+$0x20] =	vst v5  }
0x150: {  	v5 =	vpop (erf);
	[tilespmem:s14+$0xFFFFFFC0] =	vst v4  }
0x151: {  	[tilespmem:s14+$0xFFFFFFD0] =	vst v5;
	v5 =	vpop (erf)  }
0x152: {  	[tilespmem:s14+$0x10] =	vst v5;
	v5 =	vpop (erf)  }
0x153: {  	v4 =	vpop (erf);
	[tilespmem:s14+$0xFFFFFFF0] =	vst v5  }
0x154: {  	[tilespmem:s14+$0x30] =	vst v4;
	v4 =	vpop (erf)  }
0x155: {  	[tilespmem:s14+$0x0] =	vst v4  }
0x156: {  	[hbm4b:s5+s8] =	stream.strided.scatter [tilespmem:s12], [sflag:$0x1], $0x1000, s9, s8, $0x38;
	[tilespmem:$0x2190] =	vst v63  }
0x157: {  	_ =	swait.ge [sflag:s10], $0x1000  }
0x158: {  	[sflag:s10] =	ssyncset.done $0x0  }
0x159: {  	[sflag:s10] =	ssyncadd.s32 $0xFFFFF000  }
0x15a: {  	s14 =	simm.s32 @!p0 $0x2090;
	[bflag:$0x0] =	sbarrier.arrive $0xFFFF  }
0x15b: {  	[tilespmem:s14], [sflag:$0x1] =	stream.linear.gather @!p0 [spmem:s1], $0x100, $0x38;
	[tilespmem:$0x2190] =	vst v63  }
0x15c: {  	s14 =	simm.s32 @!p0 $0x1  }
0x15d: {  	_ =	swait.ge @!p0 [sflag:s14], $0x100  }
0x15e: {  	[sflag:s14] =	ssyncset.done @!p0 $0x0  }
0x15f: {  	v63 =	vld [tilespmem:$0x1FFF0];
	[sflag:s14] =	ssyncadd.s32 @!p0 $0xFFFFFF00  }
0x160: {  	v4 =	vld @!p0 [tilespmem:$0x2090]  }
0x161: {  	v5 =	vld @!p0 [tilespmem:$0x20A0]  }
0x162: {  	v6 =	vld @!p0 [tilespmem:$0x20B0]  }
0x163: {  	v7 =	vld @!p0 [tilespmem:$0x20C0]  }
0x164: {  	v8 =	vld @!p0 [tilespmem:$0x20D0]  }
0x165: {  	v9 =	vld @!p0 [tilespmem:$0x20E0];
	vm0 =	vnez.u8 v63  }
0x166: {  	v4 =	vsel @!p0 vm0, v4, v5;
	v5 =	vld @!p0 [tilespmem:$0x20F0]  }
0x167: {  	v4 =	vsel @!p0 vm1, v4, v6;
	v6 =	vld @!p0 [tilespmem:$0x2100]  }
0x168: {  	v4 =	vsel @!p0 vm2, v4, v7;
	v7 =	vld @!p0 [tilespmem:$0x2110]  }
0x169: {  	v4 =	vsel @!p0 vm3, v4, v8;
	v8 =	vld @!p0 [tilespmem:$0x2120]  }
0x16a: {  	v4 =	vsel @!p0 vm4, v4, v9;
	v9 =	vld @!p0 [tilespmem:$0x2130]  }
0x16b: {  	v4 =	vsel @!p0 vm5, v4, v5;
	v5 =	vld @!p0 [tilespmem:$0x2140]  }
0x16c: {  	v4 =	vsel @!p0 vm6, v4, v6;
	v6 =	vld @!p0 [tilespmem:$0x2150]  }
0x16d: {  	v4 =	vsel @!p0 vm7, v4, v7;
	v7 =	vld @!p0 [tilespmem:$0x2160]  }
0x16e: {  	v4 =	vsel @!p0 vm8, v4, v8;
	v8 =	vld @!p0 [tilespmem:$0x2170]  }
0x16f: {  	v4 =	vsel @!p0 vm9, v4, v9;
	v9 =	vld @!p0 [tilespmem:$0x2180]  }
0x170: {  	v4 =	vsel @!p0 vm10, v4, v5  }
0x171: {  	v4 =	vsel @!p0 vm11, v4, v6  }
0x172: {  	v4 =	vsel @!p0 vm12, v4, v7  }
0x173: {  	s13 =	sadd.s32 $0x1, s13;
	v4 =	vsel @!p0 vm13, v4, v8  }
0x174: {  	p1 =	sne.s32 s13, s7;
	v4 =	vsel @!p0 vm14, v4, v9  }
.Ltmp4:
0x175: {  	s15 =	simm.s32 @!p0 $0x0;
	s16 =	simm.s32 @!p0 $0x2000;
	[tilespmem:$0x2000] =	vst @!p0 v4;
	(pc) =	sbr.rel @p1 .LBB2_1-.Ltmp4, $4  }
0x176: {  	[hbm4b:s6+s15] =	stream.linear.scatter @!p0 [tilespmem:s16], [sflag:$0x1], $0x10, $0x38;
	[tilespmem:$0x2190] =	vst v63  }
0x177: {  	_ =	swait.ge @!p0 [sflag:s14], $0x10  }
0x178: {  	[sflag:s14] =	ssyncset.done @!p0 $0x0  }
0x179: {  	[sflag:s14] =	ssyncadd.s32 @!p0 $0xFFFFFFF0  }
0x17a: {  	_ =	sfence.sel $0x180000  }
0x17b: {  	[bflag:$0x0] =	sbarrier.arrive $0xFFFF  }
0x17c: {  	_ =	strace $0x90000047  }
0x17d: {  	s0 =	sadd.s32 @!p0 $0x100000, s0;
	[bflag:$0x2] =	sbarrier.arrive $0xFFFF  }
0x17e: {  	[sflag:s0] =	ssyncadd.tile.s32 @!p0 $0x1;
	_ =	shalt  }
.Lfunc_end2:
_tile_overlayer_lowered:
.L_overlay_start_2:
0x17f: {  	(tag) =	ssettag $0x2  }
0x180: {  	s0 =	rddreg [dreg:$0x0];
	s2 =	stileid.u32  }
0x181: {  	s1 =	rddreg [dreg:$0x1];
	p0 =	sne.s32 s2, $0x0  }
0x182: {  	s3 =	rddreg [dreg:$0x2];
	[bflag:$0x3] =	sbarrier.arrive $0xFFFF;
	s2 =	simm.s32 @!p0 $0x1C01  }
0x183: {  	[timem:s3], [sflag:s2] =	dma.local @!p0 [hbm:s0], s1  }
0x184: {  	s0 =	simm.s32 @!p0 $0x1  }
0x185: {  	_ =	swait.ge @!p0 [sflag:s0], s1  }
0x186: {  	s1 =	ssub.s32 @!p0 $0x0, s1;
	[sflag:s0] =	ssyncset.done @!p0 $0x0  }
0x187: {  	[sflag:s0] =	ssyncadd.s32 @!p0 s1  }
0x188: {  	[bflag:$0x3] =	sbarrier.arrive $0xFFFF  }
0x189: {  	_ =	shalt  }

</sc_bundles>
